<compile_context>
chip_gen: v7x
topology: tpu7x:2x2x1
jax: 0.10.2.dev20260603
libtpu: 0.0.44.dev20260713+nightly
codegen_flags: <defaults>
</compile_context>

<pallas_src>
import functools

import jax
import jax.numpy as jnp
from jax import lax
from jax.experimental import pallas as pl
from jax.experimental.pallas import tpu as pltpu
from jax.experimental.pallas import tpu_sc as plsc

N_NODES = 10000
N_EDGES = 320000
D = 128
N_REL = 200

_NC = 2
_NS = 16
_NW = _NC * _NS
_EPW = N_EDGES // _NW
_C = 80
_NCH = _EPW // _C
_G = _C // 16


def _rne_bf16_bits(x):
    b = jax.lax.bitcast_convert_type(x, jnp.int32)
    return jax.lax.shift_right_logical(
        b + jnp.int32(0x7FFF) +
        (jax.lax.shift_right_logical(b, 16) & jnp.int32(1)), 16)


def _pack_rows(x):
    lo = _rne_bf16_bits(x[:, : D // 2])
    hi = _rne_bf16_bits(x[:, D // 2:])
    return lo | (hi << 16)


def _proj_body(z_ref, whT_ref, wtT_ref, wrT_ref, bh_ref, bt_ref, br_ref,
               er_ref, h_ref, t_ref, r_ref):
    zb = z_ref[...]
    h_ref[...] = _pack_rows(jnp.maximum(
        jnp.dot(zb, whT_ref[...], preferred_element_type=jnp.float32)
        + bh_ref[...], 0.0))
    t_ref[...] = _pack_rows(jnp.maximum(
        jnp.dot(zb, wtT_ref[...], preferred_element_type=jnp.float32)
        + bt_ref[...], 0.0))

    @pl.when(pl.program_id(0) == 0)
    def _():
        r_ref[...] = _pack_rows(jnp.maximum(
            jnp.dot(er_ref[...], wrT_ref[...], preferred_element_type=jnp.float32)
            + br_ref[...], 0.0))


_ZBLK = 1000


def _project(z, er, whT, wtT, wrT, bh, bt, br):
    grid = (N_NODES // _ZBLK,)
    return pl.pallas_call(
        _proj_body,
        grid=grid,
        in_specs=[
            pl.BlockSpec((_ZBLK, D), lambda i: (i, 0)),
            pl.BlockSpec((D, D), lambda i: (0, 0)),
            pl.BlockSpec((D, D), lambda i: (0, 0)),
            pl.BlockSpec((D, D), lambda i: (0, 0)),
            pl.BlockSpec((1, D), lambda i: (0, 0)),
            pl.BlockSpec((1, D), lambda i: (0, 0)),
            pl.BlockSpec((1, D), lambda i: (0, 0)),
            pl.BlockSpec((N_REL, D), lambda i: (0, 0)),
        ],
        out_specs=[
            pl.BlockSpec((_ZBLK, D // 2), lambda i: (i, 0)),
            pl.BlockSpec((_ZBLK, D // 2), lambda i: (i, 0)),
            pl.BlockSpec((N_REL, D // 2), lambda i: (0, 0)),
        ],
        out_shape=[
            jax.ShapeDtypeStruct((N_NODES, D // 2), jnp.int32),
            jax.ShapeDtypeStruct((N_NODES, D // 2), jnp.int32),
            jax.ShapeDtypeStruct((N_REL, D // 2), jnp.int32),
        ],
    )(z, whT, wtT, wrT, bh, bt, br, er)


_mesh = plsc.VectorSubcoreMesh(core_axis_name="c", subcore_axis_name="s")


@functools.partial(
    pl.kernel,
    mesh=_mesh,
    compiler_params=pltpu.CompilerParams(
        needs_layout_passes=False, use_tc_tiling_on_sc=False),
    out_type=[
        jax.ShapeDtypeStruct((_NW, _EPW), jnp.float32),
        jax.ShapeDtypeStruct((_NW, _EPW), jnp.int32),
    ],
    scratch_types=[
        pltpu.VMEM((_EPW,), jnp.int32),
        pltpu.VMEM((_EPW,), jnp.int32),
        pltpu.VMEM((_EPW,), jnp.int32),
        pltpu.VMEM((_C, D // 2), jnp.int32),
        pltpu.VMEM((_C, D // 2), jnp.int32),
        pltpu.VMEM((_C, D // 2), jnp.int32),
        pltpu.VMEM((_C, D // 2), jnp.int32),
        pltpu.VMEM((N_REL, D // 2), jnp.int32),
        pltpu.VMEM((_EPW,), jnp.float32),
        pltpu.VMEM((_EPW,), jnp.int32),
        pltpu.VMEM((272,), jnp.float32),
        pltpu.SemaphoreType.DMA,
        pltpu.SemaphoreType.DMA,
        pltpu.SemaphoreType.DMA,
        pltpu.SemaphoreType.DMA,
    ],
)
def _score(h_hbm, t_hbm, r_hbm, hi_hbm, ti_hbm, ri_hbm, lo_hbm, mk_hbm,
           hi_v, ti_v, ri_v, hr0, hr1, tr0, tr1, rt_v, lo_v, mk_v, tacc,
           sh0, sh1, st0, st1):
    wid = lax.axis_index("s") * _NC + lax.axis_index("c")
    pltpu.sync_copy(r_hbm, rt_v)
    pltpu.sync_copy(hi_hbm.at[wid], hi_v)
    pltpu.sync_copy(ti_hbm.at[wid], ti_v)
    pltpu.sync_copy(ri_hbm.at[wid], ri_v)

    hr = (hr0, hr1)
    tr = (tr0, tr1)
    sh = (sh0, sh1)
    st = (st0, st1)

    def issue(ci, b):
        off = ci * _C
        pltpu.async_copy(h_hbm.at[hi_v.at[pl.ds(off, _C)]], hr[b], sh[b])
        pltpu.async_copy(t_hbm.at[ti_v.at[pl.ds(off, _C)]], tr[b], st[b])

    def wait(b):
        pltpu.make_async_copy(h_hbm.at[hi_v.at[pl.ds(0, _C)]], hr[b], sh[b]).wait()
        pltpu.make_async_copy(t_hbm.at[ti_v.at[pl.ds(0, _C)]], tr[b], st[b]).wait()

    lanes = lax.iota(jnp.int32, 16)

    def compute(ci, b):
        @plsc.parallel_loop(0, _G)
        def group(g):
            e0 = g * 16
            ridx_vec = ri_v[pl.ds(ci * _C + e0, 16)]

            @plsc.parallel_loop(0, 16, unroll=1)
            def edges(l):
                e = e0 + l
                rsplat = jnp.take_along_axis(
                    ridx_vec, jnp.full((16,), l, jnp.int32), axis=0)
                himsk = jnp.int32(-65536)
                acc0 = jnp.zeros((16,), jnp.float32)
                acc1 = jnp.zeros((16,), jnp.float32)
                for q in range(D // 32):
                    hw = hr[b][e, pl.ds(q * 16, 16)]
                    tw = tr[b][e, pl.ds(q * 16, 16)]
                    rw = plsc.load_gather(rt_v, [rsplat, lanes + q * 16])
                    hb = plsc.bitcast(hw, jnp.bfloat16)
                    tb = plsc.bitcast(tw, jnp.bfloat16)
                    rb = plsc.bitcast(rw, jnp.bfloat16)
                    pw = plsc.bitcast((hb * tb) * rb, jnp.int32)
                    acc0 = acc0 + plsc.bitcast(pw << 16, jnp.float32)
                    acc1 = acc1 + plsc.bitcast(pw & himsk, jnp.float32)
                plsc.store_scatter(tacc, [lanes * 17 + l], acc0 + acc1)

            s0 = tacc[pl.ds(0, 16)] + tacc[pl.ds(17, 16)]
            s1 = tacc[pl.ds(34, 16)] + tacc[pl.ds(51, 16)]
            s2 = tacc[pl.ds(68, 16)] + tacc[pl.ds(85, 16)]
            s3 = tacc[pl.ds(102, 16)] + tacc[pl.ds(119, 16)]
            s4 = tacc[pl.ds(136, 16)] + tacc[pl.ds(153, 16)]
            s5 = tacc[pl.ds(170, 16)] + tacc[pl.ds(187, 16)]
            s6 = tacc[pl.ds(204, 16)] + tacc[pl.ds(221, 16)]
            s7 = tacc[pl.ds(238, 16)] + tacc[pl.ds(255, 16)]
            svec = ((s0 + s1) + (s2 + s3)) + ((s4 + s5) + (s6 + s7))
            logit = 1.0 / (1.0 + jnp.exp(-svec))
            eo = ci * _C + e0
            lo_v[pl.ds(eo, 16)] = logit
            mk_v[pl.ds(eo, 16)] = (logit >= 0.5).astype(jnp.int32)

    issue(0, 0)

    def body2(k, carry):
        ci0 = 2 * k
        issue(ci0 + 1, 1)
        wait(0)
        compute(ci0, 0)
        issue(ci0 + 2, 0)
        wait(1)
        compute(ci0 + 1, 1)
        return carry

    lax.fori_loop(0, (_NCH - 1) // 2, body2, 0)
    wait(0)
    compute(_NCH - 1, 0)

    pltpu.sync_copy(lo_v, lo_hbm.at[wid])
    pltpu.sync_copy(mk_v, mk_hbm.at[wid])


def kernel(z, emb_rel, W_head, b_head, W_tail, b_tail, W_rel, b_rel,
           edge_index, rel_type):
    h, t, r = _project(
        z, emb_rel, W_head.T, W_tail.T, W_rel.T,
        b_head.reshape(1, D), b_tail.reshape(1, D), b_rel.reshape(1, D))
    logit, mask = _score(
        h, t, r,
        edge_index[0].reshape(_NW, _EPW),
        edge_index[1].reshape(_NW, _EPW),
        rel_type.reshape(_NW, _EPW))
    return (logit.reshape(N_EDGES), mask.reshape(N_EDGES))

# --- scband reference (transcript-rebuilt; emitter-appended) ---
"""Pipeline reference for scband-gae-fd-64046552318135 (READ-ONLY COPY).

The authoritative reference and input builder live on the scoring server;
editing this copy changes nothing except your own understanding.
"""

import jax, jax.numpy as jnp
import numpy as np

N_NODES = 10000
N_EDGES = 320000
D = 128
N_REL = 200


def setup_inputs(seed: int = 0) -> dict:
    key = jax.random.key(seed)
    ks = jax.random.split(key, 12)
    z = jax.random.normal(ks[0], (N_NODES, D), dtype=jnp.float32)
    edge_index = jax.random.randint(ks[1], (2, N_EDGES), 0, N_NODES, dtype=jnp.int32)
    rel_type = jax.random.randint(ks[2], (N_EDGES,), 0, N_REL, dtype=jnp.int32)
    emb_rel = jax.random.normal(ks[3], (N_REL, D), dtype=jnp.float32)
    s = 1.0 / np.sqrt(D)
    W_head = jax.random.normal(ks[4], (D, D), dtype=jnp.float32) * s
    b_head = jnp.zeros((D,), dtype=jnp.float32)
    W_tail = jax.random.normal(ks[5], (D, D), dtype=jnp.float32) * s
    b_tail = jnp.zeros((D,), dtype=jnp.float32)
    W_rel = jax.random.normal(ks[6], (D, D), dtype=jnp.float32) * s
    b_rel = jnp.zeros((D,), dtype=jnp.float32)
    return {
        'z': z, 'emb_rel': emb_rel,
        'W_head': W_head, 'b_head': b_head,
        'W_tail': W_tail, 'b_tail': b_tail,
        'W_rel': W_rel, 'b_rel': b_rel,
        'edge_index': edge_index, 'rel_type': rel_type,
    }


def reference(z, emb_rel, W_head, b_head, W_tail, b_tail, W_rel, b_rel, edge_index, rel_type):
    # Decoder edge-scoring path of GAE_FD:
    #   head/tail node embeddings gathered per edge, relation embedding gathered per edge,
    #   each passed through a Linear + ReLU, then DistMult score + sigmoid, threshold -> mask.
    head_idx = edge_index[0]
    tail_idx = edge_index[1]
    head_emb = jax.nn.relu(jnp.take(z, head_idx, axis=0) @ W_head.T + b_head)
    tail_emb = jax.nn.relu(jnp.take(z, tail_idx, axis=0) @ W_tail.T + b_tail)
    rel_emb = jax.nn.relu(jnp.take(emb_rel, rel_type, axis=0) @ W_rel.T + b_rel)
    logit = jax.nn.sigmoid(jnp.sum(head_emb * rel_emb * tail_emb, axis=-1))
    mask = jnp.where(logit >= 0.5, 1, 0).astype(jnp.int32)
    return (logit, mask)

if __name__ == "__main__":
    import jax
    _d = setup_inputs()
    print(jax.jit(kernel)(*tuple(_d.values())))

</pallas_src>

<mosaic_0001>
#map = affine_map<(d0, d1) -> (0, 0)>
module attributes {stable_mosaic.version = 14 : i64} {
  func.func @_score(%arg0: i32, %arg1: i32, %arg2: memref<10000x64xi32, #tpu.memory_space<hbm>>, %arg3: memref<10000x64xi32, #tpu.memory_space<hbm>>, %arg4: memref<200x64xi32, #tpu.memory_space<hbm>>, %arg5: memref<32x10000xi32, #tpu.memory_space<hbm>>, %arg6: memref<32x10000xi32, #tpu.memory_space<hbm>>, %arg7: memref<32x10000xi32, #tpu.memory_space<hbm>>, %arg8: memref<32x10000xf32, #tpu.memory_space<hbm>>, %arg9: memref<32x10000xi32, #tpu.memory_space<hbm>>, %arg10: memref<10000xi32, #tpu.memory_space<vmem>>, %arg11: memref<10000xi32, #tpu.memory_space<vmem>>, %arg12: memref<10000xi32, #tpu.memory_space<vmem>>, %arg13: memref<80x64xi32, #tpu.memory_space<vmem>>, %arg14: memref<80x64xi32, #tpu.memory_space<vmem>>, %arg15: memref<80x64xi32, #tpu.memory_space<vmem>>, %arg16: memref<80x64xi32, #tpu.memory_space<vmem>>, %arg17: memref<200x64xi32, #tpu.memory_space<vmem>>, %arg18: memref<10000xf32, #tpu.memory_space<vmem>>, %arg19: memref<10000xi32, #tpu.memory_space<vmem>>, %arg20: memref<272xf32, #tpu.memory_space<vmem>>, %arg21: memref<!tpu.dma_semaphore, #tpu.memory_space<semaphore_mem>>, %arg22: memref<!tpu.dma_semaphore, #tpu.memory_space<semaphore_mem>>, %arg23: memref<!tpu.dma_semaphore, #tpu.memory_space<semaphore_mem>>, %arg24: memref<!tpu.dma_semaphore, #tpu.memory_space<semaphore_mem>>) attributes {dimension_semantics = [#tpu.dimension_semantics<core_parallel>, #tpu.dimension_semantics<subcore_parallel>], iteration_bounds = array<i64: 2, 16>, scalar_prefetch = 0 : i64, scratch_operands = 15 : i64, tpu.core_type = #tpu.core_type<sc_vector_subcore>, window_params = [{transform_indices = #map}, {transform_indices = #map}, {transform_indices = #map}, {transform_indices = #map}, {transform_indices = #map}, {transform_indices = #map}, {transform_indices = #map}, {transform_indices = #map}]} {
    %mul3A = arith.constant 2 : i32
    %mul3A_0 = arith.muli %arg1, %mul3A : i32
    %add3A = arith.addi %mul3A_0, %arg0 : i32
    "tpu.region"() ({
      %run_scoped3A = tpu.sem_alloc : memref<!tpu.dma_semaphore, #tpu.memory_space<semaphore_mem>>
      tpu.enqueue_dma source(%arg4 : memref<200x64xi32, #tpu.memory_space<hbm>>) target(%arg17 : memref<200x64xi32, #tpu.memory_space<vmem>>) target_semaphore(%run_scoped3A : memref<!tpu.dma_semaphore, #tpu.memory_space<semaphore_mem>>)
      tpu.wait_dma2 semaphore(%run_scoped3A : memref<!tpu.dma_semaphore, #tpu.memory_space<semaphore_mem>>) src(%arg4 : memref<200x64xi32, #tpu.memory_space<hbm>>) dst(%arg17 : memref<200x64xi32, #tpu.memory_space<vmem>>)
      tpu.yield
    }) : () -> ()
    "tpu.region"() ({
      %run_scoped3A = tpu.sem_alloc : memref<!tpu.dma_semaphore, #tpu.memory_space<semaphore_mem>>
      %dma_start3A_26 = arith.constant 0 : i32
      %dma_start3A_27 = tpu.memref_slice %arg5[%add3A, %dma_start3A_26] : memref<32x10000xi32, #tpu.memory_space<hbm>> -> memref<1x10000xi32, #tpu.memory_space<hbm>>
      %dma_start3A_28 = tpu.memref_squeeze %dma_start3A_27 : memref<1x10000xi32, #tpu.memory_space<hbm>> -> memref<10000xi32, #tpu.memory_space<hbm>>
      %dma_start3A_29 = arith.constant 0 : i32
      %dma_start3A_30 = tpu.memref_slice %arg5[%add3A, %dma_start3A_29] : memref<32x10000xi32, #tpu.memory_space<hbm>> -> memref<1x10000xi32, #tpu.memory_space<hbm>>
      %dma_start3A_31 = tpu.memref_squeeze %dma_start3A_30 : memref<1x10000xi32, #tpu.memory_space<hbm>> -> memref<10000xi32, #tpu.memory_space<hbm>>
      tpu.enqueue_dma source(%dma_start3A_31 : memref<10000xi32, #tpu.memory_space<hbm>>) target(%arg10 : memref<10000xi32, #tpu.memory_space<vmem>>) target_semaphore(%run_scoped3A : memref<!tpu.dma_semaphore, #tpu.memory_space<semaphore_mem>>)
      %dma_wait3A_32 = arith.constant 0 : i32
      %dma_wait3A_33 = tpu.memref_slice %arg5[%add3A, %dma_wait3A_32] : memref<32x10000xi32, #tpu.memory_space<hbm>> -> memref<1x10000xi32, #tpu.memory_space<hbm>>
      %dma_wait3A_34 = tpu.memref_squeeze %dma_wait3A_33 : memref<1x10000xi32, #tpu.memory_space<hbm>> -> memref<10000xi32, #tpu.memory_space<hbm>>
      %dma_wait3A_35 = arith.constant 0 : i32
      %dma_wait3A_36 = tpu.memref_slice %arg5[%add3A, %dma_wait3A_35] : memref<32x10000xi32, #tpu.memory_space<hbm>> -> memref<1x10000xi32, #tpu.memory_space<hbm>>
      %dma_wait3A_37 = tpu.memref_squeeze %dma_wait3A_36 : memref<1x10000xi32, #tpu.memory_space<hbm>> -> memref<10000xi32, #tpu.memory_space<hbm>>
      tpu.wait_dma2 semaphore(%run_scoped3A : memref<!tpu.dma_semaphore, #tpu.memory_space<semaphore_mem>>) src(%dma_wait3A_37 : memref<10000xi32, #tpu.memory_space<hbm>>) dst(%arg10 : memref<10000xi32, #tpu.memory_space<vmem>>)
      tpu.yield
    }) : () -> ()
    "tpu.region"() ({
      %run_scoped3A = tpu.sem_alloc : memref<!tpu.dma_semaphore, #tpu.memory_space<semaphore_mem>>
      %dma_start3A_26 = arith.constant 0 : i32
      %dma_start3A_27 = tpu.memref_slice %arg6[%add3A, %dma_start3A_26] : memref<32x10000xi32, #tpu.memory_space<hbm>> -> memref<1x10000xi32, #tpu.memory_space<hbm>>
      %dma_start3A_28 = tpu.memref_squeeze %dma_start3A_27 : memref<1x10000xi32, #tpu.memory_space<hbm>> -> memref<10000xi32, #tpu.memory_space<hbm>>
      %dma_start3A_29 = arith.constant 0 : i32
      %dma_start3A_30 = tpu.memref_slice %arg6[%add3A, %dma_start3A_29] : memref<32x10000xi32, #tpu.memory_space<hbm>> -> memref<1x10000xi32, #tpu.memory_space<hbm>>
      %dma_start3A_31 = tpu.memref_squeeze %dma_start3A_30 : memref<1x10000xi32, #tpu.memory_space<hbm>> -> memref<10000xi32, #tpu.memory_space<hbm>>
      tpu.enqueue_dma source(%dma_start3A_31 : memref<10000xi32, #tpu.memory_space<hbm>>) target(%arg11 : memref<10000xi32, #tpu.memory_space<vmem>>) target_semaphore(%run_scoped3A : memref<!tpu.dma_semaphore, #tpu.memory_space<semaphore_mem>>)
      %dma_wait3A_32 = arith.constant 0 : i32
      %dma_wait3A_33 = tpu.memref_slice %arg6[%add3A, %dma_wait3A_32] : memref<32x10000xi32, #tpu.memory_space<hbm>> -> memref<1x10000xi32, #tpu.memory_space<hbm>>
      %dma_wait3A_34 = tpu.memref_squeeze %dma_wait3A_33 : memref<1x10000xi32, #tpu.memory_space<hbm>> -> memref<10000xi32, #tpu.memory_space<hbm>>
      %dma_wait3A_35 = arith.constant 0 : i32
      %dma_wait3A_36 = tpu.memref_slice %arg6[%add3A, %dma_wait3A_35] : memref<32x10000xi32, #tpu.memory_space<hbm>> -> memref<1x10000xi32, #tpu.memory_space<hbm>>
      %dma_wait3A_37 = tpu.memref_squeeze %dma_wait3A_36 : memref<1x10000xi32, #tpu.memory_space<hbm>> -> memref<10000xi32, #tpu.memory_space<hbm>>
      tpu.wait_dma2 semaphore(%run_scoped3A : memref<!tpu.dma_semaphore, #tpu.memory_space<semaphore_mem>>) src(%dma_wait3A_37 : memref<10000xi32, #tpu.memory_space<hbm>>) dst(%arg11 : memref<10000xi32, #tpu.memory_space<vmem>>)
      tpu.yield
    }) : () -> ()
    "tpu.region"() ({
      %run_scoped3A = tpu.sem_alloc : memref<!tpu.dma_semaphore, #tpu.memory_space<semaphore_mem>>
      %dma_start3A_26 = arith.constant 0 : i32
      %dma_start3A_27 = tpu.memref_slice %arg7[%add3A, %dma_start3A_26] : memref<32x10000xi32, #tpu.memory_space<hbm>> -> memref<1x10000xi32, #tpu.memory_space<hbm>>
      %dma_start3A_28 = tpu.memref_squeeze %dma_start3A_27 : memref<1x10000xi32, #tpu.memory_space<hbm>> -> memref<10000xi32, #tpu.memory_space<hbm>>
      %dma_start3A_29 = arith.constant 0 : i32
      %dma_start3A_30 = tpu.memref_slice %arg7[%add3A, %dma_start3A_29] : memref<32x10000xi32, #tpu.memory_space<hbm>> -> memref<1x10000xi32, #tpu.memory_space<hbm>>
      %dma_start3A_31 = tpu.memref_squeeze %dma_start3A_30 : memref<1x10000xi32, #tpu.memory_space<hbm>> -> memref<10000xi32, #tpu.memory_space<hbm>>
      tpu.enqueue_dma source(%dma_start3A_31 : memref<10000xi32, #tpu.memory_space<hbm>>) target(%arg12 : memref<10000xi32, #tpu.memory_space<vmem>>) target_semaphore(%run_scoped3A : memref<!tpu.dma_semaphore, #tpu.memory_space<semaphore_mem>>)
      %dma_wait3A_32 = arith.constant 0 : i32
      %dma_wait3A_33 = tpu.memref_slice %arg7[%add3A, %dma_wait3A_32] : memref<32x10000xi32, #tpu.memory_space<hbm>> -> memref<1x10000xi32, #tpu.memory_space<hbm>>
      %dma_wait3A_34 = tpu.memref_squeeze %dma_wait3A_33 : memref<1x10000xi32, #tpu.memory_space<hbm>> -> memref<10000xi32, #tpu.memory_space<hbm>>
      %dma_wait3A_35 = arith.constant 0 : i32
      %dma_wait3A_36 = tpu.memref_slice %arg7[%add3A, %dma_wait3A_35] : memref<32x10000xi32, #tpu.memory_space<hbm>> -> memref<1x10000xi32, #tpu.memory_space<hbm>>
      %dma_wait3A_37 = tpu.memref_squeeze %dma_wait3A_36 : memref<1x10000xi32, #tpu.memory_space<hbm>> -> memref<10000xi32, #tpu.memory_space<hbm>>
      tpu.wait_dma2 semaphore(%run_scoped3A : memref<!tpu.dma_semaphore, #tpu.memory_space<semaphore_mem>>) src(%dma_wait3A_37 : memref<10000xi32, #tpu.memory_space<hbm>>) dst(%arg12 : memref<10000xi32, #tpu.memory_space<vmem>>)
      tpu.yield
    }) : () -> ()
    %iota3A = tpu.iota {dimensions = array<i32: 0>} : vector<16xi32>
    %dma_start3A = arith.constant 0 : i32
    %dma_start3A_1 = tpu.memref_slice %arg10[%dma_start3A] : memref<10000xi32, #tpu.memory_space<vmem>> -> memref<80xi32, #tpu.memory_space<vmem>>
    %dma_start3A_2 = arith.constant 0 : i32
    %dma_start3A_3 = arith.constant 0 : i32
    %dma_start3A_4 = tpu.memref_slice %arg2[%dma_start3A_2, %dma_start3A_3] : memref<10000x64xi32, #tpu.memory_space<hbm>> -> memref<10000x64xi32, #tpu.memory_space<hbm>>
    tpu.enqueue_indirect_dma source(%dma_start3A_4 : memref<10000x64xi32, #tpu.memory_space<hbm>>) target(%arg13 : memref<80x64xi32, #tpu.memory_space<vmem>>) offsets(%dma_start3A_1 : memref<80xi32, #tpu.memory_space<vmem>>) semaphore(%arg21 : memref<!tpu.dma_semaphore, #tpu.memory_space<semaphore_mem>>)
    %dma_start3A_5 = arith.constant 0 : i32
    %dma_start3A_6 = tpu.memref_slice %arg11[%dma_start3A_5] : memref<10000xi32, #tpu.memory_space<vmem>> -> memref<80xi32, #tpu.memory_space<vmem>>
    %dma_start3A_7 = arith.constant 0 : i32
    %dma_start3A_8 = arith.constant 0 : i32
    %dma_start3A_9 = tpu.memref_slice %arg3[%dma_start3A_7, %dma_start3A_8] : memref<10000x64xi32, #tpu.memory_space<hbm>> -> memref<10000x64xi32, #tpu.memory_space<hbm>>
    tpu.enqueue_indirect_dma source(%dma_start3A_9 : memref<10000x64xi32, #tpu.memory_space<hbm>>) target(%arg15 : memref<80x64xi32, #tpu.memory_space<vmem>>) offsets(%dma_start3A_6 : memref<80xi32, #tpu.memory_space<vmem>>) semaphore(%arg23 : memref<!tpu.dma_semaphore, #tpu.memory_space<semaphore_mem>>)
    %scan3A = arith.constant 0 : i32
    %scan3A_10 = arith.constant 0 : i32
    %scan3A_11 = arith.constant 62 : i32
    %scan3A_12 = arith.addi %scan3A_10, %scan3A_11 : i32
    %scan3A_13 = arith.constant 1 : i32
    scf.for %scan3A_26 = %scan3A_10 to %scan3A_12 step %scan3A_13  : i32 {
      %mul3A_27 = arith.constant 2 : i32
      %mul3A_28 = arith.muli %mul3A_27, %scan3A_26 : i32
      %add3A_29 = arith.constant 1 : i32
      %add3A_30 = arith.addi %mul3A_28, %add3A_29 : i32
      %mul3A_31 = arith.constant 80 : i32
      %mul3A_32 = arith.muli %add3A_30, %mul3A_31 : i32
      %dma_start3A_33 = tpu.memref_slice %arg10[%mul3A_32] : memref<10000xi32, #tpu.memory_space<vmem>> -> memref<80xi32, #tpu.memory_space<vmem>>
      %dma_start3A_34 = arith.constant 0 : i32
      %dma_start3A_35 = arith.constant 0 : i32
      %dma_start3A_36 = tpu.memref_slice %arg2[%dma_start3A_34, %dma_start3A_35] : memref<10000x64xi32, #tpu.memory_space<hbm>> -> memref<10000x64xi32, #tpu.memory_space<hbm>>
      tpu.enqueue_indirect_dma source(%dma_start3A_36 : memref<10000x64xi32, #tpu.memory_space<hbm>>) target(%arg14 : memref<80x64xi32, #tpu.memory_space<vmem>>) offsets(%dma_start3A_33 : memref<80xi32, #tpu.memory_space<vmem>>) semaphore(%arg22 : memref<!tpu.dma_semaphore, #tpu.memory_space<semaphore_mem>>)
      %dma_start3A_37 = tpu.memref_slice %arg11[%mul3A_32] : memref<10000xi32, #tpu.memory_space<vmem>> -> memref<80xi32, #tpu.memory_space<vmem>>
      %dma_start3A_38 = arith.constant 0 : i32
      %dma_start3A_39 = arith.constant 0 : i32
      %dma_start3A_40 = tpu.memref_slice %arg3[%dma_start3A_38, %dma_start3A_39] : memref<10000x64xi32, #tpu.memory_space<hbm>> -> memref<10000x64xi32, #tpu.memory_space<hbm>>
      tpu.enqueue_indirect_dma source(%dma_start3A_40 : memref<10000x64xi32, #tpu.memory_space<hbm>>) target(%arg16 : memref<80x64xi32, #tpu.memory_space<vmem>>) offsets(%dma_start3A_37 : memref<80xi32, #tpu.memory_space<vmem>>) semaphore(%arg24 : memref<!tpu.dma_semaphore, #tpu.memory_space<semaphore_mem>>)
      %dma_wait3A_41 = arith.constant 0 : i32
      %dma_wait3A_42 = tpu.memref_slice %arg10[%dma_wait3A_41] : memref<10000xi32, #tpu.memory_space<vmem>> -> memref<80xi32, #tpu.memory_space<vmem>>
      %dma_wait3A_43 = arith.constant 0 : i32
      %dma_wait3A_44 = arith.constant 0 : i32
      %dma_wait3A_45 = tpu.memref_slice %arg2[%dma_wait3A_43, %dma_wait3A_44] : memref<10000x64xi32, #tpu.memory_space<hbm>> -> memref<10000x64xi32, #tpu.memory_space<hbm>>
      tpu.wait_indirect_dma semaphore(%arg21 : memref<!tpu.dma_semaphore, #tpu.memory_space<semaphore_mem>>) src(%dma_wait3A_45 : memref<10000x64xi32, #tpu.memory_space<hbm>>) dst(%arg13 : memref<80x64xi32, #tpu.memory_space<vmem>>)
      %dma_wait3A_46 = arith.constant 0 : i32
      %dma_wait3A_47 = tpu.memref_slice %arg11[%dma_wait3A_46] : memref<10000xi32, #tpu.memory_space<vmem>> -> memref<80xi32, #tpu.memory_space<vmem>>
      %dma_wait3A_48 = arith.constant 0 : i32
      %dma_wait3A_49 = arith.constant 0 : i32
      %dma_wait3A_50 = tpu.memref_slice %arg3[%dma_wait3A_48, %dma_wait3A_49] : memref<10000x64xi32, #tpu.memory_space<hbm>> -> memref<10000x64xi32, #tpu.memory_space<hbm>>
      tpu.wait_indirect_dma semaphore(%arg23 : memref<!tpu.dma_semaphore, #tpu.memory_space<semaphore_mem>>) src(%dma_wait3A_50 : memref<10000x64xi32, #tpu.memory_space<hbm>>) dst(%arg15 : memref<80x64xi32, #tpu.memory_space<vmem>>)
      %parallel_loop3A_51 = arith.constant 0 : i32
      %parallel_loop3A_52 = arith.constant 5 : i32
      %parallel_loop3A_53 = arith.constant 1 : i32
      scf.for %parallel_loop3A_81 = %parallel_loop3A_51 to %parallel_loop3A_52 step %parallel_loop3A_53  : i32 {
        %parallel_loop3A_82 = arith.constant 16 : i32
        %parallel_loop3A_83 = arith.muli %parallel_loop3A_81, %parallel_loop3A_82 : i32
        %parallel_loop3A_84 = arith.constant 80 : i32
        %parallel_loop3A_85 = arith.muli %mul3A_28, %parallel_loop3A_84 : i32
        %parallel_loop3A_86 = arith.addi %parallel_loop3A_85, %parallel_loop3A_83 : i32
        %parallel_loop3A_87 = arith.index_cast %parallel_loop3A_86 : i32 to index
        %parallel_loop3A_88 = tpu.vector_load %arg12[%parallel_loop3A_87] {strides = array<i32>} : memref<10000xi32, #tpu.memory_space<vmem>>, vector<16xi32>,
        %parallel_loop3A_89 = arith.constant 0 : i32
        %parallel_loop3A_90 = arith.constant 16 : i32
        %parallel_loop3A_91 = arith.constant 1 : i32
        scf.for %parallel_loop3A_160 = %parallel_loop3A_89 to %parallel_loop3A_90 step %parallel_loop3A_91  : i32 {
          %parallel_loop3A_161 = arith.addi %parallel_loop3A_83, %parallel_loop3A_160 : i32
          %parallel_loop3A_162 = vector.broadcast %parallel_loop3A_160 : i32 to vector<16xi32>
          %parallel_loop3A_163 = arith.constant 0 : i32
          %parallel_loop3A_164 = vector.broadcast %parallel_loop3A_163 : i32 to vector<16xi32>
          %parallel_loop3A_165 = arith.cmpi slt, %parallel_loop3A_162, %parallel_loop3A_164 : vector<16xi32>
          %parallel_loop3A_166 = arith.constant 16 : i32
          %parallel_loop3A_167 = vector.broadcast %parallel_loop3A_166 : i32 to vector<16xi32>
          %parallel_loop3A_168 = arith.addi %parallel_loop3A_162, %parallel_loop3A_167 : vector<16xi32>
          %parallel_loop3A_169 = arith.select %parallel_loop3A_165, %parallel_loop3A_168, %parallel_loop3A_162 : vector<16xi1>, vector<16xi32>
          %parallel_loop3A_170 = vector.shape_cast %parallel_loop3A_169 : vector<16xi32> to vector<16x1xi32>
          %parallel_loop3A_171 = vector.shape_cast %parallel_loop3A_170 : vector<16x1xi32> to vector<16xi32>
          %parallel_loop3A_172 = tpu.dynamic_gather %parallel_loop3A_88[%parallel_loop3A_171] in [0] : vector<16xi32>, vector<16xi32> -> vector<16xi32>
          %parallel_loop3A_173 = arith.constant 0.000000e+00 : f32
          %parallel_loop3A_174 = vector.broadcast %parallel_loop3A_173 : f32 to vector<16xf32>
          %parallel_loop3A_175 = arith.constant 0.000000e+00 : f32
          %parallel_loop3A_176 = vector.broadcast %parallel_loop3A_175 : f32 to vector<16xf32>
          %parallel_loop3A_177 = arith.index_cast %parallel_loop3A_161 : i32 to index
          %parallel_loop3A_178 = arith.constant 0 : index
          %parallel_loop3A_179 = tpu.vector_load %arg13[%parallel_loop3A_177, %parallel_loop3A_178] {strides = array<i32>} : memref<80x64xi32, #tpu.memory_space<vmem>>, vector<16xi32>,
          %parallel_loop3A_180 = arith.index_cast %parallel_loop3A_161 : i32 to index
          %parallel_loop3A_181 = arith.constant 0 : index
          %parallel_loop3A_182 = tpu.vector_load %arg15[%parallel_loop3A_180, %parallel_loop3A_181] {strides = array<i32>} : memref<80x64xi32, #tpu.memory_space<vmem>>, vector<16xi32>,
          %parallel_loop3A_183 = arith.constant 0 : i32
          %parallel_loop3A_184 = vector.broadcast %parallel_loop3A_183 : i32 to vector<16xi32>
          %parallel_loop3A_185 = arith.addi %iota3A, %parallel_loop3A_184 : vector<16xi32>
          %parallel_loop3A_186 = tpu.vector_load_idx %arg17[%parallel_loop3A_172, %parallel_loop3A_185] : memref<200x64xi32, #tpu.memory_space<vmem>>[vector<16xi32>, vector<16xi32>], vector<16xi32>,
          %parallel_loop3A_187 = vector.bitcast %parallel_loop3A_179 : vector<16xi32> to vector<32xbf16>
          %parallel_loop3A_188 = vector.bitcast %parallel_loop3A_182 : vector<16xi32> to vector<32xbf16>
          %parallel_loop3A_189 = vector.bitcast %parallel_loop3A_186 : vector<16xi32> to vector<32xbf16>
          %parallel_loop3A_190 = arith.mulf %parallel_loop3A_187, %parallel_loop3A_188 : vector<32xbf16>
          %parallel_loop3A_191 = arith.mulf %parallel_loop3A_190, %parallel_loop3A_189 : vector<32xbf16>
          %parallel_loop3A_192 = vector.bitcast %parallel_loop3A_191 : vector<32xbf16> to vector<16xi32>
          %parallel_loop3A_193 = arith.constant 16 : i32
          %parallel_loop3A_194 = vector.broadcast %parallel_loop3A_193 : i32 to vector<16xi32>
          %parallel_loop3A_195 = arith.shli %parallel_loop3A_192, %parallel_loop3A_194 : vector<16xi32>
          %parallel_loop3A_196 = vector.bitcast %parallel_loop3A_195 : vector<16xi32> to vector<16xf32>
          %parallel_loop3A_197 = arith.addf %parallel_loop3A_174, %parallel_loop3A_196 : vector<16xf32>
          %parallel_loop3A_198 = arith.constant -65536 : i32
          %parallel_loop3A_199 = vector.broadcast %parallel_loop3A_198 : i32 to vector<16xi32>
          %parallel_loop3A_200 = arith.andi %parallel_loop3A_192, %parallel_loop3A_199 : vector<16xi32>
          %parallel_loop3A_201 = vector.bitcast %parallel_loop3A_200 : vector<16xi32> to vector<16xf32>
          %parallel_loop3A_202 = arith.addf %parallel_loop3A_176, %parallel_loop3A_201 : vector<16xf32>
          %parallel_loop3A_203 = arith.index_cast %parallel_loop3A_161 : i32 to index
          %parallel_loop3A_204 = arith.constant 16 : index
          %parallel_loop3A_205 = tpu.vector_load %arg13[%parallel_loop3A_203, %parallel_loop3A_204] {strides = array<i32>} : memref<80x64xi32, #tpu.memory_space<vmem>>, vector<16xi32>,
          %parallel_loop3A_206 = arith.index_cast %parallel_loop3A_161 : i32 to index
          %parallel_loop3A_207 = arith.constant 16 : index
          %parallel_loop3A_208 = tpu.vector_load %arg15[%parallel_loop3A_206, %parallel_loop3A_207] {strides = array<i32>} : memref<80x64xi32, #tpu.memory_space<vmem>>, vector<16xi32>,
          %parallel_loop3A_209 = arith.constant 16 : i32
          %parallel_loop3A_210 = vector.broadcast %parallel_loop3A_209 : i32 to vector<16xi32>
          %parallel_loop3A_211 = arith.addi %iota3A, %parallel_loop3A_210 : vector<16xi32>
          %parallel_loop3A_212 = tpu.vector_load_idx %arg17[%parallel_loop3A_172, %parallel_loop3A_211] : memref<200x64xi32, #tpu.memory_space<vmem>>[vector<16xi32>, vector<16xi32>], vector<16xi32>,
          %parallel_loop3A_213 = vector.bitcast %parallel_loop3A_205 : vector<16xi32> to vector<32xbf16>
          %parallel_loop3A_214 = vector.bitcast %parallel_loop3A_208 : vector<16xi32> to vector<32xbf16>
          %parallel_loop3A_215 = vector.bitcast %parallel_loop3A_212 : vector<16xi32> to vector<32xbf16>
          %parallel_loop3A_216 = arith.mulf %parallel_loop3A_213, %parallel_loop3A_214 : vector<32xbf16>
          %parallel_loop3A_217 = arith.mulf %parallel_loop3A_216, %parallel_loop3A_215 : vector<32xbf16>
          %parallel_loop3A_218 = vector.bitcast %parallel_loop3A_217 : vector<32xbf16> to vector<16xi32>
          %parallel_loop3A_219 = arith.constant 16 : i32
          %parallel_loop3A_220 = vector.broadcast %parallel_loop3A_219 : i32 to vector<16xi32>
          %parallel_loop3A_221 = arith.shli %parallel_loop3A_218, %parallel_loop3A_220 : vector<16xi32>
          %parallel_loop3A_222 = vector.bitcast %parallel_loop3A_221 : vector<16xi32> to vector<16xf32>
          %parallel_loop3A_223 = arith.addf %parallel_loop3A_197, %parallel_loop3A_222 : vector<16xf32>
          %parallel_loop3A_224 = arith.constant -65536 : i32
          %parallel_loop3A_225 = vector.broadcast %parallel_loop3A_224 : i32 to vector<16xi32>
          %parallel_loop3A_226 = arith.andi %parallel_loop3A_218, %parallel_loop3A_225 : vector<16xi32>
          %parallel_loop3A_227 = vector.bitcast %parallel_loop3A_226 : vector<16xi32> to vector<16xf32>
          %parallel_loop3A_228 = arith.addf %parallel_loop3A_202, %parallel_loop3A_227 : vector<16xf32>
          %parallel_loop3A_229 = arith.index_cast %parallel_loop3A_161 : i32 to index
          %parallel_loop3A_230 = arith.constant 32 : index
          %parallel_loop3A_231 = tpu.vector_load %arg13[%parallel_loop3A_229, %parallel_loop3A_230] {strides = array<i32>} : memref<80x64xi32, #tpu.memory_space<vmem>>, vector<16xi32>,
          %parallel_loop3A_232 = arith.index_cast %parallel_loop3A_161 : i32 to index
          %parallel_loop3A_233 = arith.constant 32 : index
          %parallel_loop3A_234 = tpu.vector_load %arg15[%parallel_loop3A_232, %parallel_loop3A_233] {strides = array<i32>} : memref<80x64xi32, #tpu.memory_space<vmem>>, vector<16xi32>,
          %parallel_loop3A_235 = arith.constant 32 : i32
          %parallel_loop3A_236 = vector.broadcast %parallel_loop3A_235 : i32 to vector<16xi32>
          %parallel_loop3A_237 = arith.addi %iota3A, %parallel_loop3A_236 : vector<16xi32>
          %parallel_loop3A_238 = tpu.vector_load_idx %arg17[%parallel_loop3A_172, %parallel_loop3A_237] : memref<200x64xi32, #tpu.memory_space<vmem>>[vector<16xi32>, vector<16xi32>], vector<16xi32>,
          %parallel_loop3A_239 = vector.bitcast %parallel_loop3A_231 : vector<16xi32> to vector<32xbf16>
          %parallel_loop3A_240 = vector.bitcast %parallel_loop3A_234 : vector<16xi32> to vector<32xbf16>
          %parallel_loop3A_241 = vector.bitcast %parallel_loop3A_238 : vector<16xi32> to vector<32xbf16>
          %parallel_loop3A_242 = arith.mulf %parallel_loop3A_239, %parallel_loop3A_240 : vector<32xbf16>
          %parallel_loop3A_243 = arith.mulf %parallel_loop3A_242, %parallel_loop3A_241 : vector<32xbf16>
          %parallel_loop3A_244 = vector.bitcast %parallel_loop3A_243 : vector<32xbf16> to vector<16xi32>
          %parallel_loop3A_245 = arith.constant 16 : i32
          %parallel_loop3A_246 = vector.broadcast %parallel_loop3A_245 : i32 to vector<16xi32>
          %parallel_loop3A_247 = arith.shli %parallel_loop3A_244, %parallel_loop3A_246 : vector<16xi32>
          %parallel_loop3A_248 = vector.bitcast %parallel_loop3A_247 : vector<16xi32> to vector<16xf32>
          %parallel_loop3A_249 = arith.addf %parallel_loop3A_223, %parallel_loop3A_248 : vector<16xf32>
          %parallel_loop3A_250 = arith.constant -65536 : i32
          %parallel_loop3A_251 = vector.broadcast %parallel_loop3A_250 : i32 to vector<16xi32>
          %parallel_loop3A_252 = arith.andi %parallel_loop3A_244, %parallel_loop3A_251 : vector<16xi32>
          %parallel_loop3A_253 = vector.bitcast %parallel_loop3A_252 : vector<16xi32> to vector<16xf32>
          %parallel_loop3A_254 = arith.addf %parallel_loop3A_228, %parallel_loop3A_253 : vector<16xf32>
          %parallel_loop3A_255 = arith.index_cast %parallel_loop3A_161 : i32 to index
          %parallel_loop3A_256 = arith.constant 48 : index
          %parallel_loop3A_257 = tpu.vector_load %arg13[%parallel_loop3A_255, %parallel_loop3A_256] {strides = array<i32>} : memref<80x64xi32, #tpu.memory_space<vmem>>, vector<16xi32>,
          %parallel_loop3A_258 = arith.index_cast %parallel_loop3A_161 : i32 to index
          %parallel_loop3A_259 = arith.constant 48 : index
          %parallel_loop3A_260 = tpu.vector_load %arg15[%parallel_loop3A_258, %parallel_loop3A_259] {strides = array<i32>} : memref<80x64xi32, #tpu.memory_space<vmem>>, vector<16xi32>,
          %parallel_loop3A_261 = arith.constant 48 : i32
          %parallel_loop3A_262 = vector.broadcast %parallel_loop3A_261 : i32 to vector<16xi32>
          %parallel_loop3A_263 = arith.addi %iota3A, %parallel_loop3A_262 : vector<16xi32>
          %parallel_loop3A_264 = tpu.vector_load_idx %arg17[%parallel_loop3A_172, %parallel_loop3A_263] : memref<200x64xi32, #tpu.memory_space<vmem>>[vector<16xi32>, vector<16xi32>], vector<16xi32>,
          %parallel_loop3A_265 = vector.bitcast %parallel_loop3A_257 : vector<16xi32> to vector<32xbf16>
          %parallel_loop3A_266 = vector.bitcast %parallel_loop3A_260 : vector<16xi32> to vector<32xbf16>
          %parallel_loop3A_267 = vector.bitcast %parallel_loop3A_264 : vector<16xi32> to vector<32xbf16>
          %parallel_loop3A_268 = arith.mulf %parallel_loop3A_265, %parallel_loop3A_266 : vector<32xbf16>
          %parallel_loop3A_269 = arith.mulf %parallel_loop3A_268, %parallel_loop3A_267 : vector<32xbf16>
          %parallel_loop3A_270 = vector.bitcast %parallel_loop3A_269 : vector<32xbf16> to vector<16xi32>
          %parallel_loop3A_271 = arith.constant 16 : i32
          %parallel_loop3A_272 = vector.broadcast %parallel_loop3A_271 : i32 to vector<16xi32>
          %parallel_loop3A_273 = arith.shli %parallel_loop3A_270, %parallel_loop3A_272 : vector<16xi32>
          %parallel_loop3A_274 = vector.bitcast %parallel_loop3A_273 : vector<16xi32> to vector<16xf32>
          %parallel_loop3A_275 = arith.addf %parallel_loop3A_249, %parallel_loop3A_274 : vector<16xf32>
          %parallel_loop3A_276 = arith.constant -65536 : i32
          %parallel_loop3A_277 = vector.broadcast %parallel_loop3A_276 : i32 to vector<16xi32>
          %parallel_loop3A_278 = arith.andi %parallel_loop3A_270, %parallel_loop3A_277 : vector<16xi32>
          %parallel_loop3A_279 = vector.bitcast %parallel_loop3A_278 : vector<16xi32> to vector<16xf32>
          %parallel_loop3A_280 = arith.addf %parallel_loop3A_254, %parallel_loop3A_279 : vector<16xf32>
          %parallel_loop3A_281 = arith.constant 17 : i32
          %parallel_loop3A_282 = vector.broadcast %parallel_loop3A_281 : i32 to vector<16xi32>
          %parallel_loop3A_283 = arith.muli %iota3A, %parallel_loop3A_282 : vector<16xi32>
          %parallel_loop3A_284 = vector.broadcast %parallel_loop3A_160 : i32 to vector<16xi32>
          %parallel_loop3A_285 = arith.addi %parallel_loop3A_283, %parallel_loop3A_284 : vector<16xi32>
          %parallel_loop3A_286 = arith.addf %parallel_loop3A_275, %parallel_loop3A_280 : vector<16xf32>
          tpu.vector_store_idx %arg20[%parallel_loop3A_285], %parallel_loop3A_286 : memref<272xf32, #tpu.memory_space<vmem>>[vector<16xi32>], vector<16xf32>,
        } {sc.loop_unroll_factor = 1 : i64, sc.parallel_access}
        %parallel_loop3A_92 = arith.constant 0 : index
        %parallel_loop3A_93 = tpu.vector_load %arg20[%parallel_loop3A_92] {strides = array<i32>} : memref<272xf32, #tpu.memory_space<vmem>>, vector<16xf32>,
        %parallel_loop3A_94 = arith.constant 17 : index
        %parallel_loop3A_95 = tpu.vector_load %arg20[%parallel_loop3A_94] {strides = array<i32>} : memref<272xf32, #tpu.memory_space<vmem>>, vector<16xf32>,
        %parallel_loop3A_96 = arith.addf %parallel_loop3A_93, %parallel_loop3A_95 : vector<16xf32>
        %parallel_loop3A_97 = arith.constant 34 : index
        %parallel_loop3A_98 = tpu.vector_load %arg20[%parallel_loop3A_97] {strides = array<i32>} : memref<272xf32, #tpu.memory_space<vmem>>, vector<16xf32>,
        %parallel_loop3A_99 = arith.constant 51 : index
        %parallel_loop3A_100 = tpu.vector_load %arg20[%parallel_loop3A_99] {strides = array<i32>} : memref<272xf32, #tpu.memory_space<vmem>>, vector<16xf32>,
        %parallel_loop3A_101 = arith.addf %parallel_loop3A_98, %parallel_loop3A_100 : vector<16xf32>
        %parallel_loop3A_102 = arith.constant 68 : index
        %parallel_loop3A_103 = tpu.vector_load %arg20[%parallel_loop3A_102] {strides = array<i32>} : memref<272xf32, #tpu.memory_space<vmem>>, vector<16xf32>,
        %parallel_loop3A_104 = arith.constant 85 : index
        %parallel_loop3A_105 = tpu.vector_load %arg20[%parallel_loop3A_104] {strides = array<i32>} : memref<272xf32, #tpu.memory_space<vmem>>, vector<16xf32>,
        %parallel_loop3A_106 = arith.addf %parallel_loop3A_103, %parallel_loop3A_105 : vector<16xf32>
        %parallel_loop3A_107 = arith.constant 102 : index
        %parallel_loop3A_108 = tpu.vector_load %arg20[%parallel_loop3A_107] {strides = array<i32>} : memref<272xf32, #tpu.memory_space<vmem>>, vector<16xf32>,
        %parallel_loop3A_109 = arith.constant 119 : index
        %parallel_loop3A_110 = tpu.vector_load %arg20[%parallel_loop3A_109] {strides = array<i32>} : memref<272xf32, #tpu.memory_space<vmem>>, vector<16xf32>,
        %parallel_loop3A_111 = arith.addf %parallel_loop3A_108, %parallel_loop3A_110 : vector<16xf32>
        %parallel_loop3A_112 = arith.constant 136 : index
        %parallel_loop3A_113 = tpu.vector_load %arg20[%parallel_loop3A_112] {strides = array<i32>} : memref<272xf32, #tpu.memory_space<vmem>>, vector<16xf32>,
        %parallel_loop3A_114 = arith.constant 153 : index
        %parallel_loop3A_115 = tpu.vector_load %arg20[%parallel_loop3A_114] {strides = array<i32>} : memref<272xf32, #tpu.memory_space<vmem>>, vector<16xf32>,
        %parallel_loop3A_116 = arith.addf %parallel_loop3A_113, %parallel_loop3A_115 : vector<16xf32>
        %parallel_loop3A_117 = arith.constant 170 : index
        %parallel_loop3A_118 = tpu.vector_load %arg20[%parallel_loop3A_117] {strides = array<i32>} : memref<272xf32, #tpu.memory_space<vmem>>, vector<16xf32>,
        %parallel_loop3A_119 = arith.constant 187 : index
        %parallel_loop3A_120 = tpu.vector_load %arg20[%parallel_loop3A_119] {strides = array<i32>} : memref<272xf32, #tpu.memory_space<vmem>>, vector<16xf32>,
        %parallel_loop3A_121 = arith.addf %parallel_loop3A_118, %parallel_loop3A_120 : vector<16xf32>
        %parallel_loop3A_122 = arith.constant 204 : index
        %parallel_loop3A_123 = tpu.vector_load %arg20[%parallel_loop3A_122] {strides = array<i32>} : memref<272xf32, #tpu.memory_space<vmem>>, vector<16xf32>,
        %parallel_loop3A_124 = arith.constant 221 : index
        %parallel_loop3A_125 = tpu.vector_load %arg20[%parallel_loop3A_124] {strides = array<i32>} : memref<272xf32, #tpu.memory_space<vmem>>, vector<16xf32>,
        %parallel_loop3A_126 = arith.addf %parallel_loop3A_123, %parallel_loop3A_125 : vector<16xf32>
        %parallel_loop3A_127 = arith.constant 238 : index
        %parallel_loop3A_128 = tpu.vector_load %arg20[%parallel_loop3A_127] {strides = array<i32>} : memref<272xf32, #tpu.memory_space<vmem>>, vector<16xf32>,
        %parallel_loop3A_129 = arith.constant 255 : index
        %parallel_loop3A_130 = tpu.vector_load %arg20[%parallel_loop3A_129] {strides = array<i32>} : memref<272xf32, #tpu.memory_space<vmem>>, vector<16xf32>,
        %parallel_loop3A_131 = arith.addf %parallel_loop3A_128, %parallel_loop3A_130 : vector<16xf32>
        %parallel_loop3A_132 = arith.addf %parallel_loop3A_96, %parallel_loop3A_101 : vector<16xf32>
        %parallel_loop3A_133 = arith.addf %parallel_loop3A_106, %parallel_loop3A_111 : vector<16xf32>
        %parallel_loop3A_134 = arith.addf %parallel_loop3A_132, %parallel_loop3A_133 : vector<16xf32>
        %parallel_loop3A_135 = arith.addf %parallel_loop3A_116, %parallel_loop3A_121 : vector<16xf32>
        %parallel_loop3A_136 = arith.addf %parallel_loop3A_126, %parallel_loop3A_131 : vector<16xf32>
        %parallel_loop3A_137 = arith.addf %parallel_loop3A_135, %parallel_loop3A_136 : vector<16xf32>
        %parallel_loop3A_138 = arith.addf %parallel_loop3A_134, %parallel_loop3A_137 : vector<16xf32>
        %parallel_loop3A_139 = arith.constant 0.000000e+00 : f32
        %parallel_loop3A_140 = vector.broadcast %parallel_loop3A_139 : f32 to vector<16xf32>
        %parallel_loop3A_141 = arith.subf %parallel_loop3A_140, %parallel_loop3A_138 : vector<16xf32>
        %parallel_loop3A_142 = math.exp %parallel_loop3A_141 : vector<16xf32>
        %parallel_loop3A_143 = arith.constant 1.000000e+00 : f32
        %parallel_loop3A_144 = vector.broadcast %parallel_loop3A_143 : f32 to vector<16xf32>
        %parallel_loop3A_145 = arith.addf %parallel_loop3A_144, %parallel_loop3A_142 : vector<16xf32>
        %parallel_loop3A_146 = arith.constant 1.000000e+00 : f32
        %parallel_loop3A_147 = vector.broadcast %parallel_loop3A_146 : f32 to vector<16xf32>
        %parallel_loop3A_148 = arith.divf %parallel_loop3A_147, %parallel_loop3A_145 : vector<16xf32>
        %parallel_loop3A_149 = arith.constant 80 : i32
        %parallel_loop3A_150 = arith.muli %mul3A_28, %parallel_loop3A_149 : i32
        %parallel_loop3A_151 = arith.addi %parallel_loop3A_150, %parallel_loop3A_83 : i32
        %parallel_loop3A_152 = arith.index_cast %parallel_loop3A_151 : i32 to index
        %parallel_loop3A_153 = tpu.vector_load %arg18[%parallel_loop3A_152] {strides = array<i32>} : memref<10000xf32, #tpu.memory_space<vmem>>, vector<16xf32>,
        tpu.vector_store %arg18[%parallel_loop3A_152], %parallel_loop3A_148 {strides = array<i32>} : memref<10000xf32, #tpu.memory_space<vmem>>, vector<16xf32>,
        %parallel_loop3A_154 = arith.constant 5.000000e-01 : f32
        %parallel_loop3A_155 = vector.broadcast %parallel_loop3A_154 : f32 to vector<16xf32>
        %parallel_loop3A_156 = arith.cmpf oge, %parallel_loop3A_148, %parallel_loop3A_155 : vector<16xf32>
        %parallel_loop3A_157 = arith.extui %parallel_loop3A_156 : vector<16xi1> to vector<16xi32>
        %parallel_loop3A_158 = arith.index_cast %parallel_loop3A_151 : i32 to index
        %parallel_loop3A_159 = tpu.vector_load %arg19[%parallel_loop3A_158] {strides = array<i32>} : memref<10000xi32, #tpu.memory_space<vmem>>, vector<16xi32>,
        tpu.vector_store %arg19[%parallel_loop3A_158], %parallel_loop3A_157 {strides = array<i32>} : memref<10000xi32, #tpu.memory_space<vmem>>, vector<16xi32>,
      } {sc.loop_unroll_factor = 1 : i64, sc.parallel_access}
      %add3A_54 = arith.constant 2 : i32
      %add3A_55 = arith.addi %mul3A_28, %add3A_54 : i32
      %mul3A_56 = arith.constant 80 : i32
      %mul3A_57 = arith.muli %add3A_55, %mul3A_56 : i32
      %dma_start3A_58 = tpu.memref_slice %arg10[%mul3A_57] : memref<10000xi32, #tpu.memory_space<vmem>> -> memref<80xi32, #tpu.memory_space<vmem>>
      %dma_start3A_59 = arith.constant 0 : i32
      %dma_start3A_60 = arith.constant 0 : i32
      %dma_start3A_61 = tpu.memref_slice %arg2[%dma_start3A_59, %dma_start3A_60] : memref<10000x64xi32, #tpu.memory_space<hbm>> -> memref<10000x64xi32, #tpu.memory_space<hbm>>
      tpu.enqueue_indirect_dma source(%dma_start3A_61 : memref<10000x64xi32, #tpu.memory_space<hbm>>) target(%arg13 : memref<80x64xi32, #tpu.memory_space<vmem>>) offsets(%dma_start3A_58 : memref<80xi32, #tpu.memory_space<vmem>>) semaphore(%arg21 : memref<!tpu.dma_semaphore, #tpu.memory_space<semaphore_mem>>)
      %dma_start3A_62 = tpu.memref_slice %arg11[%mul3A_57] : memref<10000xi32, #tpu.memory_space<vmem>> -> memref<80xi32, #tpu.memory_space<vmem>>
      %dma_start3A_63 = arith.constant 0 : i32
      %dma_start3A_64 = arith.constant 0 : i32
      %dma_start3A_65 = tpu.memref_slice %arg3[%dma_start3A_63, %dma_start3A_64] : memref<10000x64xi32, #tpu.memory_space<hbm>> -> memref<10000x64xi32, #tpu.memory_space<hbm>>
      tpu.enqueue_indirect_dma source(%dma_start3A_65 : memref<10000x64xi32, #tpu.memory_space<hbm>>) target(%arg15 : memref<80x64xi32, #tpu.memory_space<vmem>>) offsets(%dma_start3A_62 : memref<80xi32, #tpu.memory_space<vmem>>) semaphore(%arg23 : memref<!tpu.dma_semaphore, #tpu.memory_space<semaphore_mem>>)
      %dma_wait3A_66 = arith.constant 0 : i32
      %dma_wait3A_67 = tpu.memref_slice %arg10[%dma_wait3A_66] : memref<10000xi32, #tpu.memory_space<vmem>> -> memref<80xi32, #tpu.memory_space<vmem>>
      %dma_wait3A_68 = arith.constant 0 : i32
      %dma_wait3A_69 = arith.constant 0 : i32
      %dma_wait3A_70 = tpu.memref_slice %arg2[%dma_wait3A_68, %dma_wait3A_69] : memref<10000x64xi32, #tpu.memory_space<hbm>> -> memref<10000x64xi32, #tpu.memory_space<hbm>>
      tpu.wait_indirect_dma semaphore(%arg22 : memref<!tpu.dma_semaphore, #tpu.memory_space<semaphore_mem>>) src(%dma_wait3A_70 : memref<10000x64xi32, #tpu.memory_space<hbm>>) dst(%arg14 : memref<80x64xi32, #tpu.memory_space<vmem>>)
      %dma_wait3A_71 = arith.constant 0 : i32
      %dma_wait3A_72 = tpu.memref_slice %arg11[%dma_wait3A_71] : memref<10000xi32, #tpu.memory_space<vmem>> -> memref<80xi32, #tpu.memory_space<vmem>>
      %dma_wait3A_73 = arith.constant 0 : i32
      %dma_wait3A_74 = arith.constant 0 : i32
      %dma_wait3A_75 = tpu.memref_slice %arg3[%dma_wait3A_73, %dma_wait3A_74] : memref<10000x64xi32, #tpu.memory_space<hbm>> -> memref<10000x64xi32, #tpu.memory_space<hbm>>
      tpu.wait_indirect_dma semaphore(%arg24 : memref<!tpu.dma_semaphore, #tpu.memory_space<semaphore_mem>>) src(%dma_wait3A_75 : memref<10000x64xi32, #tpu.memory_space<hbm>>) dst(%arg16 : memref<80x64xi32, #tpu.memory_space<vmem>>)
      %add3A_76 = arith.constant 1 : i32
      %add3A_77 = arith.addi %mul3A_28, %add3A_76 : i32
      %parallel_loop3A_78 = arith.constant 0 : i32
      %parallel_loop3A_79 = arith.constant 5 : i32
      %parallel_loop3A_80 = arith.constant 1 : i32
      scf.for %parallel_loop3A_81 = %parallel_loop3A_78 to %parallel_loop3A_79 step %parallel_loop3A_80  : i32 {
        %parallel_loop3A_82 = arith.constant 16 : i32
        %parallel_loop3A_83 = arith.muli %parallel_loop3A_81, %parallel_loop3A_82 : i32
        %parallel_loop3A_84 = arith.constant 80 : i32
        %parallel_loop3A_85 = arith.muli %add3A_77, %parallel_loop3A_84 : i32
        %parallel_loop3A_86 = arith.addi %parallel_loop3A_85, %parallel_loop3A_83 : i32
        %parallel_loop3A_87 = arith.index_cast %parallel_loop3A_86 : i32 to index
        %parallel_loop3A_88 = tpu.vector_load %arg12[%parallel_loop3A_87] {strides = array<i32>} : memref<10000xi32, #tpu.memory_space<vmem>>, vector<16xi32>,
        %parallel_loop3A_89 = arith.constant 0 : i32
        %parallel_loop3A_90 = arith.constant 16 : i32
        %parallel_loop3A_91 = arith.constant 1 : i32
        scf.for %parallel_loop3A_160 = %parallel_loop3A_89 to %parallel_loop3A_90 step %parallel_loop3A_91  : i32 {
          %parallel_loop3A_161 = arith.addi %parallel_loop3A_83, %parallel_loop3A_160 : i32
          %parallel_loop3A_162 = vector.broadcast %parallel_loop3A_160 : i32 to vector<16xi32>
          %parallel_loop3A_163 = arith.constant 0 : i32
          %parallel_loop3A_164 = vector.broadcast %parallel_loop3A_163 : i32 to vector<16xi32>
          %parallel_loop3A_165 = arith.cmpi slt, %parallel_loop3A_162, %parallel_loop3A_164 : vector<16xi32>
          %parallel_loop3A_166 = arith.constant 16 : i32
          %parallel_loop3A_167 = vector.broadcast %parallel_loop3A_166 : i32 to vector<16xi32>
          %parallel_loop3A_168 = arith.addi %parallel_loop3A_162, %parallel_loop3A_167 : vector<16xi32>
          %parallel_loop3A_169 = arith.select %parallel_loop3A_165, %parallel_loop3A_168, %parallel_loop3A_162 : vector<16xi1>, vector<16xi32>
          %parallel_loop3A_170 = vector.shape_cast %parallel_loop3A_169 : vector<16xi32> to vector<16x1xi32>
          %parallel_loop3A_171 = vector.shape_cast %parallel_loop3A_170 : vector<16x1xi32> to vector<16xi32>
          %parallel_loop3A_172 = tpu.dynamic_gather %parallel_loop3A_88[%parallel_loop3A_171] in [0] : vector<16xi32>, vector<16xi32> -> vector<16xi32>
          %parallel_loop3A_173 = arith.constant 0.000000e+00 : f32
          %parallel_loop3A_174 = vector.broadcast %parallel_loop3A_173 : f32 to vector<16xf32>
          %parallel_loop3A_175 = arith.constant 0.000000e+00 : f32
          %parallel_loop3A_176 = vector.broadcast %parallel_loop3A_175 : f32 to vector<16xf32>
          %parallel_loop3A_177 = arith.index_cast %parallel_loop3A_161 : i32 to index
          %parallel_loop3A_178 = arith.constant 0 : index
          %parallel_loop3A_179 = tpu.vector_load %arg14[%parallel_loop3A_177, %parallel_loop3A_178] {strides = array<i32>} : memref<80x64xi32, #tpu.memory_space<vmem>>, vector<16xi32>,
          %parallel_loop3A_180 = arith.index_cast %parallel_loop3A_161 : i32 to index
          %parallel_loop3A_181 = arith.constant 0 : index
          %parallel_loop3A_182 = tpu.vector_load %arg16[%parallel_loop3A_180, %parallel_loop3A_181] {strides = array<i32>} : memref<80x64xi32, #tpu.memory_space<vmem>>, vector<16xi32>,
          %parallel_loop3A_183 = arith.constant 0 : i32
          %parallel_loop3A_184 = vector.broadcast %parallel_loop3A_183 : i32 to vector<16xi32>
          %parallel_loop3A_185 = arith.addi %iota3A, %parallel_loop3A_184 : vector<16xi32>
          %parallel_loop3A_186 = tpu.vector_load_idx %arg17[%parallel_loop3A_172, %parallel_loop3A_185] : memref<200x64xi32, #tpu.memory_space<vmem>>[vector<16xi32>, vector<16xi32>], vector<16xi32>,
          %parallel_loop3A_187 = vector.bitcast %parallel_loop3A_179 : vector<16xi32> to vector<32xbf16>
          %parallel_loop3A_188 = vector.bitcast %parallel_loop3A_182 : vector<16xi32> to vector<32xbf16>
          %parallel_loop3A_189 = vector.bitcast %parallel_loop3A_186 : vector<16xi32> to vector<32xbf16>
          %parallel_loop3A_190 = arith.mulf %parallel_loop3A_187, %parallel_loop3A_188 : vector<32xbf16>
          %parallel_loop3A_191 = arith.mulf %parallel_loop3A_190, %parallel_loop3A_189 : vector<32xbf16>
          %parallel_loop3A_192 = vector.bitcast %parallel_loop3A_191 : vector<32xbf16> to vector<16xi32>
          %parallel_loop3A_193 = arith.constant 16 : i32
          %parallel_loop3A_194 = vector.broadcast %parallel_loop3A_193 : i32 to vector<16xi32>
          %parallel_loop3A_195 = arith.shli %parallel_loop3A_192, %parallel_loop3A_194 : vector<16xi32>
          %parallel_loop3A_196 = vector.bitcast %parallel_loop3A_195 : vector<16xi32> to vector<16xf32>
          %parallel_loop3A_197 = arith.addf %parallel_loop3A_174, %parallel_loop3A_196 : vector<16xf32>
          %parallel_loop3A_198 = arith.constant -65536 : i32
          %parallel_loop3A_199 = vector.broadcast %parallel_loop3A_198 : i32 to vector<16xi32>
          %parallel_loop3A_200 = arith.andi %parallel_loop3A_192, %parallel_loop3A_199 : vector<16xi32>
          %parallel_loop3A_201 = vector.bitcast %parallel_loop3A_200 : vector<16xi32> to vector<16xf32>
          %parallel_loop3A_202 = arith.addf %parallel_loop3A_176, %parallel_loop3A_201 : vector<16xf32>
          %parallel_loop3A_203 = arith.index_cast %parallel_loop3A_161 : i32 to index
          %parallel_loop3A_204 = arith.constant 16 : index
          %parallel_loop3A_205 = tpu.vector_load %arg14[%parallel_loop3A_203, %parallel_loop3A_204] {strides = array<i32>} : memref<80x64xi32, #tpu.memory_space<vmem>>, vector<16xi32>,
          %parallel_loop3A_206 = arith.index_cast %parallel_loop3A_161 : i32 to index
          %parallel_loop3A_207 = arith.constant 16 : index
          %parallel_loop3A_208 = tpu.vector_load %arg16[%parallel_loop3A_206, %parallel_loop3A_207] {strides = array<i32>} : memref<80x64xi32, #tpu.memory_space<vmem>>, vector<16xi32>,
          %parallel_loop3A_209 = arith.constant 16 : i32
          %parallel_loop3A_210 = vector.broadcast %parallel_loop3A_209 : i32 to vector<16xi32>
          %parallel_loop3A_211 = arith.addi %iota3A, %parallel_loop3A_210 : vector<16xi32>
          %parallel_loop3A_212 = tpu.vector_load_idx %arg17[%parallel_loop3A_172, %parallel_loop3A_211] : memref<200x64xi32, #tpu.memory_space<vmem>>[vector<16xi32>, vector<16xi32>], vector<16xi32>,
          %parallel_loop3A_213 = vector.bitcast %parallel_loop3A_205 : vector<16xi32> to vector<32xbf16>
          %parallel_loop3A_214 = vector.bitcast %parallel_loop3A_208 : vector<16xi32> to vector<32xbf16>
          %parallel_loop3A_215 = vector.bitcast %parallel_loop3A_212 : vector<16xi32> to vector<32xbf16>
          %parallel_loop3A_216 = arith.mulf %parallel_loop3A_213, %parallel_loop3A_214 : vector<32xbf16>
          %parallel_loop3A_217 = arith.mulf %parallel_loop3A_216, %parallel_loop3A_215 : vector<32xbf16>
          %parallel_loop3A_218 = vector.bitcast %parallel_loop3A_217 : vector<32xbf16> to vector<16xi32>
          %parallel_loop3A_219 = arith.constant 16 : i32
          %parallel_loop3A_220 = vector.broadcast %parallel_loop3A_219 : i32 to vector<16xi32>
          %parallel_loop3A_221 = arith.shli %parallel_loop3A_218, %parallel_loop3A_220 : vector<16xi32>
          %parallel_loop3A_222 = vector.bitcast %parallel_loop3A_221 : vector<16xi32> to vector<16xf32>
          %parallel_loop3A_223 = arith.addf %parallel_loop3A_197, %parallel_loop3A_222 : vector<16xf32>
          %parallel_loop3A_224 = arith.constant -65536 : i32
          %parallel_loop3A_225 = vector.broadcast %parallel_loop3A_224 : i32 to vector<16xi32>
          %parallel_loop3A_226 = arith.andi %parallel_loop3A_218, %parallel_loop3A_225 : vector<16xi32>
          %parallel_loop3A_227 = vector.bitcast %parallel_loop3A_226 : vector<16xi32> to vector<16xf32>
          %parallel_loop3A_228 = arith.addf %parallel_loop3A_202, %parallel_loop3A_227 : vector<16xf32>
          %parallel_loop3A_229 = arith.index_cast %parallel_loop3A_161 : i32 to index
          %parallel_loop3A_230 = arith.constant 32 : index
          %parallel_loop3A_231 = tpu.vector_load %arg14[%parallel_loop3A_229, %parallel_loop3A_230] {strides = array<i32>} : memref<80x64xi32, #tpu.memory_space<vmem>>, vector<16xi32>,
          %parallel_loop3A_232 = arith.index_cast %parallel_loop3A_161 : i32 to index
          %parallel_loop3A_233 = arith.constant 32 : index
          %parallel_loop3A_234 = tpu.vector_load %arg16[%parallel_loop3A_232, %parallel_loop3A_233] {strides = array<i32>} : memref<80x64xi32, #tpu.memory_space<vmem>>, vector<16xi32>,
          %parallel_loop3A_235 = arith.constant 32 : i32
          %parallel_loop3A_236 = vector.broadcast %parallel_loop3A_235 : i32 to vector<16xi32>
          %parallel_loop3A_237 = arith.addi %iota3A, %parallel_loop3A_236 : vector<16xi32>
          %parallel_loop3A_238 = tpu.vector_load_idx %arg17[%parallel_loop3A_172, %parallel_loop3A_237] : memref<200x64xi32, #tpu.memory_space<vmem>>[vector<16xi32>, vector<16xi32>], vector<16xi32>,
          %parallel_loop3A_239 = vector.bitcast %parallel_loop3A_231 : vector<16xi32> to vector<32xbf16>
          %parallel_loop3A_240 = vector.bitcast %parallel_loop3A_234 : vector<16xi32> to vector<32xbf16>
          %parallel_loop3A_241 = vector.bitcast %parallel_loop3A_238 : vector<16xi32> to vector<32xbf16>
          %parallel_loop3A_242 = arith.mulf %parallel_loop3A_239, %parallel_loop3A_240 : vector<32xbf16>
          %parallel_loop3A_243 = arith.mulf %parallel_loop3A_242, %parallel_loop3A_241 : vector<32xbf16>
          %parallel_loop3A_244 = vector.bitcast %parallel_loop3A_243 : vector<32xbf16> to vector<16xi32>
          %parallel_loop3A_245 = arith.constant 16 : i32
          %parallel_loop3A_246 = vector.broadcast %parallel_loop3A_245 : i32 to vector<16xi32>
          %parallel_loop3A_247 = arith.shli %parallel_loop3A_244, %parallel_loop3A_246 : vector<16xi32>
          %parallel_loop3A_248 = vector.bitcast %parallel_loop3A_247 : vector<16xi32> to vector<16xf32>
          %parallel_loop3A_249 = arith.addf %parallel_loop3A_223, %parallel_loop3A_248 : vector<16xf32>
          %parallel_loop3A_250 = arith.constant -65536 : i32
          %parallel_loop3A_251 = vector.broadcast %parallel_loop3A_250 : i32 to vector<16xi32>
          %parallel_loop3A_252 = arith.andi %parallel_loop3A_244, %parallel_loop3A_251 : vector<16xi32>
          %parallel_loop3A_253 = vector.bitcast %parallel_loop3A_252 : vector<16xi32> to vector<16xf32>
          %parallel_loop3A_254 = arith.addf %parallel_loop3A_228, %parallel_loop3A_253 : vector<16xf32>
          %parallel_loop3A_255 = arith.index_cast %parallel_loop3A_161 : i32 to index
          %parallel_loop3A_256 = arith.constant 48 : index
          %parallel_loop3A_257 = tpu.vector_load %arg14[%parallel_loop3A_255, %parallel_loop3A_256] {strides = array<i32>} : memref<80x64xi32, #tpu.memory_space<vmem>>, vector<16xi32>,
          %parallel_loop3A_258 = arith.index_cast %parallel_loop3A_161 : i32 to index
          %parallel_loop3A_259 = arith.constant 48 : index
          %parallel_loop3A_260 = tpu.vector_load %arg16[%parallel_loop3A_258, %parallel_loop3A_259] {strides = array<i32>} : memref<80x64xi32, #tpu.memory_space<vmem>>, vector<16xi32>,
          %parallel_loop3A_261 = arith.constant 48 : i32
          %parallel_loop3A_262 = vector.broadcast %parallel_loop3A_261 : i32 to vector<16xi32>
          %parallel_loop3A_263 = arith.addi %iota3A, %parallel_loop3A_262 : vector<16xi32>
          %parallel_loop3A_264 = tpu.vector_load_idx %arg17[%parallel_loop3A_172, %parallel_loop3A_263] : memref<200x64xi32, #tpu.memory_space<vmem>>[vector<16xi32>, vector<16xi32>], vector<16xi32>,
          %parallel_loop3A_265 = vector.bitcast %parallel_loop3A_257 : vector<16xi32> to vector<32xbf16>
          %parallel_loop3A_266 = vector.bitcast %parallel_loop3A_260 : vector<16xi32> to vector<32xbf16>
          %parallel_loop3A_267 = vector.bitcast %parallel_loop3A_264 : vector<16xi32> to vector<32xbf16>
          %parallel_loop3A_268 = arith.mulf %parallel_loop3A_265, %parallel_loop3A_266 : vector<32xbf16>
          %parallel_loop3A_269 = arith.mulf %parallel_loop3A_268, %parallel_loop3A_267 : vector<32xbf16>
          %parallel_loop3A_270 = vector.bitcast %parallel_loop3A_269 : vector<32xbf16> to vector<16xi32>
          %parallel_loop3A_271 = arith.constant 16 : i32
          %parallel_loop3A_272 = vector.broadcast %parallel_loop3A_271 : i32 to vector<16xi32>
          %parallel_loop3A_273 = arith.shli %parallel_loop3A_270, %parallel_loop3A_272 : vector<16xi32>
          %parallel_loop3A_274 = vector.bitcast %parallel_loop3A_273 : vector<16xi32> to vector<16xf32>
          %parallel_loop3A_275 = arith.addf %parallel_loop3A_249, %parallel_loop3A_274 : vector<16xf32>
          %parallel_loop3A_276 = arith.constant -65536 : i32
          %parallel_loop3A_277 = vector.broadcast %parallel_loop3A_276 : i32 to vector<16xi32>
          %parallel_loop3A_278 = arith.andi %parallel_loop3A_270, %parallel_loop3A_277 : vector<16xi32>
          %parallel_loop3A_279 = vector.bitcast %parallel_loop3A_278 : vector<16xi32> to vector<16xf32>
          %parallel_loop3A_280 = arith.addf %parallel_loop3A_254, %parallel_loop3A_279 : vector<16xf32>
          %parallel_loop3A_281 = arith.constant 17 : i32
          %parallel_loop3A_282 = vector.broadcast %parallel_loop3A_281 : i32 to vector<16xi32>
          %parallel_loop3A_283 = arith.muli %iota3A, %parallel_loop3A_282 : vector<16xi32>
          %parallel_loop3A_284 = vector.broadcast %parallel_loop3A_160 : i32 to vector<16xi32>
          %parallel_loop3A_285 = arith.addi %parallel_loop3A_283, %parallel_loop3A_284 : vector<16xi32>
          %parallel_loop3A_286 = arith.addf %parallel_loop3A_275, %parallel_loop3A_280 : vector<16xf32>
          tpu.vector_store_idx %arg20[%parallel_loop3A_285], %parallel_loop3A_286 : memref<272xf32, #tpu.memory_space<vmem>>[vector<16xi32>], vector<16xf32>,
        } {sc.loop_unroll_factor = 1 : i64, sc.parallel_access}
        %parallel_loop3A_92 = arith.constant 0 : index
        %parallel_loop3A_93 = tpu.vector_load %arg20[%parallel_loop3A_92] {strides = array<i32>} : memref<272xf32, #tpu.memory_space<vmem>>, vector<16xf32>,
        %parallel_loop3A_94 = arith.constant 17 : index
        %parallel_loop3A_95 = tpu.vector_load %arg20[%parallel_loop3A_94] {strides = array<i32>} : memref<272xf32, #tpu.memory_space<vmem>>, vector<16xf32>,
        %parallel_loop3A_96 = arith.addf %parallel_loop3A_93, %parallel_loop3A_95 : vector<16xf32>
        %parallel_loop3A_97 = arith.constant 34 : index
        %parallel_loop3A_98 = tpu.vector_load %arg20[%parallel_loop3A_97] {strides = array<i32>} : memref<272xf32, #tpu.memory_space<vmem>>, vector<16xf32>,
        %parallel_loop3A_99 = arith.constant 51 : index
        %parallel_loop3A_100 = tpu.vector_load %arg20[%parallel_loop3A_99] {strides = array<i32>} : memref<272xf32, #tpu.memory_space<vmem>>, vector<16xf32>,
        %parallel_loop3A_101 = arith.addf %parallel_loop3A_98, %parallel_loop3A_100 : vector<16xf32>
        %parallel_loop3A_102 = arith.constant 68 : index
        %parallel_loop3A_103 = tpu.vector_load %arg20[%parallel_loop3A_102] {strides = array<i32>} : memref<272xf32, #tpu.memory_space<vmem>>, vector<16xf32>,
        %parallel_loop3A_104 = arith.constant 85 : index
        %parallel_loop3A_105 = tpu.vector_load %arg20[%parallel_loop3A_104] {strides = array<i32>} : memref<272xf32, #tpu.memory_space<vmem>>, vector<16xf32>,
        %parallel_loop3A_106 = arith.addf %parallel_loop3A_103, %parallel_loop3A_105 : vector<16xf32>
        %parallel_loop3A_107 = arith.constant 102 : index
        %parallel_loop3A_108 = tpu.vector_load %arg20[%parallel_loop3A_107] {strides = array<i32>} : memref<272xf32, #tpu.memory_space<vmem>>, vector<16xf32>,
        %parallel_loop3A_109 = arith.constant 119 : index
        %parallel_loop3A_110 = tpu.vector_load %arg20[%parallel_loop3A_109] {strides = array<i32>} : memref<272xf32, #tpu.memory_space<vmem>>, vector<16xf32>,
        %parallel_loop3A_111 = arith.addf %parallel_loop3A_108, %parallel_loop3A_110 : vector<16xf32>
        %parallel_loop3A_112 = arith.constant 136 : index
        %parallel_loop3A_113 = tpu.vector_load %arg20[%parallel_loop3A_112] {strides = array<i32>} : memref<272xf32, #tpu.memory_space<vmem>>, vector<16xf32>,
        %parallel_loop3A_114 = arith.constant 153 : index
        %parallel_loop3A_115 = tpu.vector_load %arg20[%parallel_loop3A_114] {strides = array<i32>} : memref<272xf32, #tpu.memory_space<vmem>>, vector<16xf32>,
        %parallel_loop3A_116 = arith.addf %parallel_loop3A_113, %parallel_loop3A_115 : vector<16xf32>
        %parallel_loop3A_117 = arith.constant 170 : index
        %parallel_loop3A_118 = tpu.vector_load %arg20[%parallel_loop3A_117] {strides = array<i32>} : memref<272xf32, #tpu.memory_space<vmem>>, vector<16xf32>,
        %parallel_loop3A_119 = arith.constant 187 : index
        %parallel_loop3A_120 = tpu.vector_load %arg20[%parallel_loop3A_119] {strides = array<i32>} : memref<272xf32, #tpu.memory_space<vmem>>, vector<16xf32>,
        %parallel_loop3A_121 = arith.addf %parallel_loop3A_118, %parallel_loop3A_120 : vector<16xf32>
        %parallel_loop3A_122 = arith.constant 204 : index
        %parallel_loop3A_123 = tpu.vector_load %arg20[%parallel_loop3A_122] {strides = array<i32>} : memref<272xf32, #tpu.memory_space<vmem>>, vector<16xf32>,
        %parallel_loop3A_124 = arith.constant 221 : index
        %parallel_loop3A_125 = tpu.vector_load %arg20[%parallel_loop3A_124] {strides = array<i32>} : memref<272xf32, #tpu.memory_space<vmem>>, vector<16xf32>,
        %parallel_loop3A_126 = arith.addf %parallel_loop3A_123, %parallel_loop3A_125 : vector<16xf32>
        %parallel_loop3A_127 = arith.constant 238 : index
        %parallel_loop3A_128 = tpu.vector_load %arg20[%parallel_loop3A_127] {strides = array<i32>} : memref<272xf32, #tpu.memory_space<vmem>>, vector<16xf32>,
        %parallel_loop3A_129 = arith.constant 255 : index
        %parallel_loop3A_130 = tpu.vector_load %arg20[%parallel_loop3A_129] {strides = array<i32>} : memref<272xf32, #tpu.memory_space<vmem>>, vector<16xf32>,
        %parallel_loop3A_131 = arith.addf %parallel_loop3A_128, %parallel_loop3A_130 : vector<16xf32>
        %parallel_loop3A_132 = arith.addf %parallel_loop3A_96, %parallel_loop3A_101 : vector<16xf32>
        %parallel_loop3A_133 = arith.addf %parallel_loop3A_106, %parallel_loop3A_111 : vector<16xf32>
        %parallel_loop3A_134 = arith.addf %parallel_loop3A_132, %parallel_loop3A_133 : vector<16xf32>
        %parallel_loop3A_135 = arith.addf %parallel_loop3A_116, %parallel_loop3A_121 : vector<16xf32>
        %parallel_loop3A_136 = arith.addf %parallel_loop3A_126, %parallel_loop3A_131 : vector<16xf32>
        %parallel_loop3A_137 = arith.addf %parallel_loop3A_135, %parallel_loop3A_136 : vector<16xf32>
        %parallel_loop3A_138 = arith.addf %parallel_loop3A_134, %parallel_loop3A_137 : vector<16xf32>
        %parallel_loop3A_139 = arith.constant 0.000000e+00 : f32
        %parallel_loop3A_140 = vector.broadcast %parallel_loop3A_139 : f32 to vector<16xf32>
        %parallel_loop3A_141 = arith.subf %parallel_loop3A_140, %parallel_loop3A_138 : vector<16xf32>
        %parallel_loop3A_142 = math.exp %parallel_loop3A_141 : vector<16xf32>
        %parallel_loop3A_143 = arith.constant 1.000000e+00 : f32
        %parallel_loop3A_144 = vector.broadcast %parallel_loop3A_143 : f32 to vector<16xf32>
        %parallel_loop3A_145 = arith.addf %parallel_loop3A_144, %parallel_loop3A_142 : vector<16xf32>
        %parallel_loop3A_146 = arith.constant 1.000000e+00 : f32
        %parallel_loop3A_147 = vector.broadcast %parallel_loop3A_146 : f32 to vector<16xf32>
        %parallel_loop3A_148 = arith.divf %parallel_loop3A_147, %parallel_loop3A_145 : vector<16xf32>
        %parallel_loop3A_149 = arith.constant 80 : i32
        %parallel_loop3A_150 = arith.muli %add3A_77, %parallel_loop3A_149 : i32
        %parallel_loop3A_151 = arith.addi %parallel_loop3A_150, %parallel_loop3A_83 : i32
        %parallel_loop3A_152 = arith.index_cast %parallel_loop3A_151 : i32 to index
        %parallel_loop3A_153 = tpu.vector_load %arg18[%parallel_loop3A_152] {strides = array<i32>} : memref<10000xf32, #tpu.memory_space<vmem>>, vector<16xf32>,
        tpu.vector_store %arg18[%parallel_loop3A_152], %parallel_loop3A_148 {strides = array<i32>} : memref<10000xf32, #tpu.memory_space<vmem>>, vector<16xf32>,
        %parallel_loop3A_154 = arith.constant 5.000000e-01 : f32
        %parallel_loop3A_155 = vector.broadcast %parallel_loop3A_154 : f32 to vector<16xf32>
        %parallel_loop3A_156 = arith.cmpf oge, %parallel_loop3A_148, %parallel_loop3A_155 : vector<16xf32>
        %parallel_loop3A_157 = arith.extui %parallel_loop3A_156 : vector<16xi1> to vector<16xi32>
        %parallel_loop3A_158 = arith.index_cast %parallel_loop3A_151 : i32 to index
        %parallel_loop3A_159 = tpu.vector_load %arg19[%parallel_loop3A_158] {strides = array<i32>} : memref<10000xi32, #tpu.memory_space<vmem>>, vector<16xi32>,
        tpu.vector_store %arg19[%parallel_loop3A_158], %parallel_loop3A_157 {strides = array<i32>} : memref<10000xi32, #tpu.memory_space<vmem>>, vector<16xi32>,
      } {sc.loop_unroll_factor = 1 : i64, sc.parallel_access}
    }
    %scan3A_14 = arith.constant 62 : i32
    %dma_wait3A = arith.constant 0 : i32
    %dma_wait3A_15 = tpu.memref_slice %arg10[%dma_wait3A] : memref<10000xi32, #tpu.memory_space<vmem>> -> memref<80xi32, #tpu.memory_space<vmem>>
    %dma_wait3A_16 = arith.constant 0 : i32
    %dma_wait3A_17 = arith.constant 0 : i32
    %dma_wait3A_18 = tpu.memref_slice %arg2[%dma_wait3A_16, %dma_wait3A_17] : memref<10000x64xi32, #tpu.memory_space<hbm>> -> memref<10000x64xi32, #tpu.memory_space<hbm>>
    tpu.wait_indirect_dma semaphore(%arg21 : memref<!tpu.dma_semaphore, #tpu.memory_space<semaphore_mem>>) src(%dma_wait3A_18 : memref<10000x64xi32, #tpu.memory_space<hbm>>) dst(%arg13 : memref<80x64xi32, #tpu.memory_space<vmem>>)
    %dma_wait3A_19 = arith.constant 0 : i32
    %dma_wait3A_20 = tpu.memref_slice %arg11[%dma_wait3A_19] : memref<10000xi32, #tpu.memory_space<vmem>> -> memref<80xi32, #tpu.memory_space<vmem>>
    %dma_wait3A_21 = arith.constant 0 : i32
    %dma_wait3A_22 = arith.constant 0 : i32
    %dma_wait3A_23 = tpu.memref_slice %arg3[%dma_wait3A_21, %dma_wait3A_22] : memref<10000x64xi32, #tpu.memory_space<hbm>> -> memref<10000x64xi32, #tpu.memory_space<hbm>>
    tpu.wait_indirect_dma semaphore(%arg23 : memref<!tpu.dma_semaphore, #tpu.memory_space<semaphore_mem>>) src(%dma_wait3A_23 : memref<10000x64xi32, #tpu.memory_space<hbm>>) dst(%arg15 : memref<80x64xi32, #tpu.memory_space<vmem>>)
    %parallel_loop3A = arith.constant 0 : i32
    %parallel_loop3A_24 = arith.constant 5 : i32
    %parallel_loop3A_25 = arith.constant 1 : i32
    scf.for %parallel_loop3A_26 = %parallel_loop3A to %parallel_loop3A_24 step %parallel_loop3A_25  : i32 {
      %parallel_loop3A_27 = arith.constant 16 : i32
      %parallel_loop3A_28 = arith.muli %parallel_loop3A_26, %parallel_loop3A_27 : i32
      %parallel_loop3A_29 = arith.constant 9920 : i32
      %parallel_loop3A_30 = arith.addi %parallel_loop3A_29, %parallel_loop3A_28 : i32
      %parallel_loop3A_31 = arith.index_cast %parallel_loop3A_30 : i32 to index
      %parallel_loop3A_32 = tpu.vector_load %arg12[%parallel_loop3A_31] {strides = array<i32>} : memref<10000xi32, #tpu.memory_space<vmem>>, vector<16xi32>,
      %parallel_loop3A_33 = arith.constant 0 : i32
      %parallel_loop3A_34 = arith.constant 16 : i32
      %parallel_loop3A_35 = arith.constant 1 : i32
      scf.for %parallel_loop3A_103 = %parallel_loop3A_33 to %parallel_loop3A_34 step %parallel_loop3A_35  : i32 {
        %parallel_loop3A_104 = arith.addi %parallel_loop3A_28, %parallel_loop3A_103 : i32
        %parallel_loop3A_105 = vector.broadcast %parallel_loop3A_103 : i32 to vector<16xi32>
        %parallel_loop3A_106 = arith.constant 0 : i32
        %parallel_loop3A_107 = vector.broadcast %parallel_loop3A_106 : i32 to vector<16xi32>
        %parallel_loop3A_108 = arith.cmpi slt, %parallel_loop3A_105, %parallel_loop3A_107 : vector<16xi32>
        %parallel_loop3A_109 = arith.constant 16 : i32
        %parallel_loop3A_110 = vector.broadcast %parallel_loop3A_109 : i32 to vector<16xi32>
        %parallel_loop3A_111 = arith.addi %parallel_loop3A_105, %parallel_loop3A_110 : vector<16xi32>
        %parallel_loop3A_112 = arith.select %parallel_loop3A_108, %parallel_loop3A_111, %parallel_loop3A_105 : vector<16xi1>, vector<16xi32>
        %parallel_loop3A_113 = vector.shape_cast %parallel_loop3A_112 : vector<16xi32> to vector<16x1xi32>
        %parallel_loop3A_114 = vector.shape_cast %parallel_loop3A_113 : vector<16x1xi32> to vector<16xi32>
        %parallel_loop3A_115 = tpu.dynamic_gather %parallel_loop3A_32[%parallel_loop3A_114] in [0] : vector<16xi32>, vector<16xi32> -> vector<16xi32>
        %parallel_loop3A_116 = arith.constant 0.000000e+00 : f32
        %parallel_loop3A_117 = vector.broadcast %parallel_loop3A_116 : f32 to vector<16xf32>
        %parallel_loop3A_118 = arith.constant 0.000000e+00 : f32
        %parallel_loop3A_119 = vector.broadcast %parallel_loop3A_118 : f32 to vector<16xf32>
        %parallel_loop3A_120 = arith.index_cast %parallel_loop3A_104 : i32 to index
        %parallel_loop3A_121 = arith.constant 0 : index
        %parallel_loop3A_122 = tpu.vector_load %arg13[%parallel_loop3A_120, %parallel_loop3A_121] {strides = array<i32>} : memref<80x64xi32, #tpu.memory_space<vmem>>, vector<16xi32>,
        %parallel_loop3A_123 = arith.index_cast %parallel_loop3A_104 : i32 to index
        %parallel_loop3A_124 = arith.constant 0 : index
        %parallel_loop3A_125 = tpu.vector_load %arg15[%parallel_loop3A_123, %parallel_loop3A_124] {strides = array<i32>} : memref<80x64xi32, #tpu.memory_space<vmem>>, vector<16xi32>,
        %parallel_loop3A_126 = arith.constant 0 : i32
        %parallel_loop3A_127 = vector.broadcast %parallel_loop3A_126 : i32 to vector<16xi32>
        %parallel_loop3A_128 = arith.addi %iota3A, %parallel_loop3A_127 : vector<16xi32>
        %parallel_loop3A_129 = tpu.vector_load_idx %arg17[%parallel_loop3A_115, %parallel_loop3A_128] : memref<200x64xi32, #tpu.memory_space<vmem>>[vector<16xi32>, vector<16xi32>], vector<16xi32>,
        %parallel_loop3A_130 = vector.bitcast %parallel_loop3A_122 : vector<16xi32> to vector<32xbf16>
        %parallel_loop3A_131 = vector.bitcast %parallel_loop3A_125 : vector<16xi32> to vector<32xbf16>
        %parallel_loop3A_132 = vector.bitcast %parallel_loop3A_129 : vector<16xi32> to vector<32xbf16>
        %parallel_loop3A_133 = arith.mulf %parallel_loop3A_130, %parallel_loop3A_131 : vector<32xbf16>
        %parallel_loop3A_134 = arith.mulf %parallel_loop3A_133, %parallel_loop3A_132 : vector<32xbf16>
        %parallel_loop3A_135 = vector.bitcast %parallel_loop3A_134 : vector<32xbf16> to vector<16xi32>
        %parallel_loop3A_136 = arith.constant 16 : i32
        %parallel_loop3A_137 = vector.broadcast %parallel_loop3A_136 : i32 to vector<16xi32>
        %parallel_loop3A_138 = arith.shli %parallel_loop3A_135, %parallel_loop3A_137 : vector<16xi32>
        %parallel_loop3A_139 = vector.bitcast %parallel_loop3A_138 : vector<16xi32> to vector<16xf32>
        %parallel_loop3A_140 = arith.addf %parallel_loop3A_117, %parallel_loop3A_139 : vector<16xf32>
        %parallel_loop3A_141 = arith.constant -65536 : i32
        %parallel_loop3A_142 = vector.broadcast %parallel_loop3A_141 : i32 to vector<16xi32>
        %parallel_loop3A_143 = arith.andi %parallel_loop3A_135, %parallel_loop3A_142 : vector<16xi32>
        %parallel_loop3A_144 = vector.bitcast %parallel_loop3A_143 : vector<16xi32> to vector<16xf32>
        %parallel_loop3A_145 = arith.addf %parallel_loop3A_119, %parallel_loop3A_144 : vector<16xf32>
        %parallel_loop3A_146 = arith.index_cast %parallel_loop3A_104 : i32 to index
        %parallel_loop3A_147 = arith.constant 16 : index
        %parallel_loop3A_148 = tpu.vector_load %arg13[%parallel_loop3A_146, %parallel_loop3A_147] {strides = array<i32>} : memref<80x64xi32, #tpu.memory_space<vmem>>, vector<16xi32>,
        %parallel_loop3A_149 = arith.index_cast %parallel_loop3A_104 : i32 to index
        %parallel_loop3A_150 = arith.constant 16 : index
        %parallel_loop3A_151 = tpu.vector_load %arg15[%parallel_loop3A_149, %parallel_loop3A_150] {strides = array<i32>} : memref<80x64xi32, #tpu.memory_space<vmem>>, vector<16xi32>,
        %parallel_loop3A_152 = arith.constant 16 : i32
        %parallel_loop3A_153 = vector.broadcast %parallel_loop3A_152 : i32 to vector<16xi32>
        %parallel_loop3A_154 = arith.addi %iota3A, %parallel_loop3A_153 : vector<16xi32>
        %parallel_loop3A_155 = tpu.vector_load_idx %arg17[%parallel_loop3A_115, %parallel_loop3A_154] : memref<200x64xi32, #tpu.memory_space<vmem>>[vector<16xi32>, vector<16xi32>], vector<16xi32>,
        %parallel_loop3A_156 = vector.bitcast %parallel_loop3A_148 : vector<16xi32> to vector<32xbf16>
        %parallel_loop3A_157 = vector.bitcast %parallel_loop3A_151 : vector<16xi32> to vector<32xbf16>
        %parallel_loop3A_158 = vector.bitcast %parallel_loop3A_155 : vector<16xi32> to vector<32xbf16>
        %parallel_loop3A_159 = arith.mulf %parallel_loop3A_156, %parallel_loop3A_157 : vector<32xbf16>
        %parallel_loop3A_160 = arith.mulf %parallel_loop3A_159, %parallel_loop3A_158 : vector<32xbf16>
        %parallel_loop3A_161 = vector.bitcast %parallel_loop3A_160 : vector<32xbf16> to vector<16xi32>
        %parallel_loop3A_162 = arith.constant 16 : i32
        %parallel_loop3A_163 = vector.broadcast %parallel_loop3A_162 : i32 to vector<16xi32>
        %parallel_loop3A_164 = arith.shli %parallel_loop3A_161, %parallel_loop3A_163 : vector<16xi32>
        %parallel_loop3A_165 = vector.bitcast %parallel_loop3A_164 : vector<16xi32> to vector<16xf32>
        %parallel_loop3A_166 = arith.addf %parallel_loop3A_140, %parallel_loop3A_165 : vector<16xf32>
        %parallel_loop3A_167 = arith.constant -65536 : i32
        %parallel_loop3A_168 = vector.broadcast %parallel_loop3A_167 : i32 to vector<16xi32>
        %parallel_loop3A_169 = arith.andi %parallel_loop3A_161, %parallel_loop3A_168 : vector<16xi32>
        %parallel_loop3A_170 = vector.bitcast %parallel_loop3A_169 : vector<16xi32> to vector<16xf32>
        %parallel_loop3A_171 = arith.addf %parallel_loop3A_145, %parallel_loop3A_170 : vector<16xf32>
        %parallel_loop3A_172 = arith.index_cast %parallel_loop3A_104 : i32 to index
        %parallel_loop3A_173 = arith.constant 32 : index
        %parallel_loop3A_174 = tpu.vector_load %arg13[%parallel_loop3A_172, %parallel_loop3A_173] {strides = array<i32>} : memref<80x64xi32, #tpu.memory_space<vmem>>, vector<16xi32>,
        %parallel_loop3A_175 = arith.index_cast %parallel_loop3A_104 : i32 to index
        %parallel_loop3A_176 = arith.constant 32 : index
        %parallel_loop3A_177 = tpu.vector_load %arg15[%parallel_loop3A_175, %parallel_loop3A_176] {strides = array<i32>} : memref<80x64xi32, #tpu.memory_space<vmem>>, vector<16xi32>,
        %parallel_loop3A_178 = arith.constant 32 : i32
        %parallel_loop3A_179 = vector.broadcast %parallel_loop3A_178 : i32 to vector<16xi32>
        %parallel_loop3A_180 = arith.addi %iota3A, %parallel_loop3A_179 : vector<16xi32>
        %parallel_loop3A_181 = tpu.vector_load_idx %arg17[%parallel_loop3A_115, %parallel_loop3A_180] : memref<200x64xi32, #tpu.memory_space<vmem>>[vector<16xi32>, vector<16xi32>], vector<16xi32>,
        %parallel_loop3A_182 = vector.bitcast %parallel_loop3A_174 : vector<16xi32> to vector<32xbf16>
        %parallel_loop3A_183 = vector.bitcast %parallel_loop3A_177 : vector<16xi32> to vector<32xbf16>
        %parallel_loop3A_184 = vector.bitcast %parallel_loop3A_181 : vector<16xi32> to vector<32xbf16>
        %parallel_loop3A_185 = arith.mulf %parallel_loop3A_182, %parallel_loop3A_183 : vector<32xbf16>
        %parallel_loop3A_186 = arith.mulf %parallel_loop3A_185, %parallel_loop3A_184 : vector<32xbf16>
        %parallel_loop3A_187 = vector.bitcast %parallel_loop3A_186 : vector<32xbf16> to vector<16xi32>
        %parallel_loop3A_188 = arith.constant 16 : i32
        %parallel_loop3A_189 = vector.broadcast %parallel_loop3A_188 : i32 to vector<16xi32>
        %parallel_loop3A_190 = arith.shli %parallel_loop3A_187, %parallel_loop3A_189 : vector<16xi32>
        %parallel_loop3A_191 = vector.bitcast %parallel_loop3A_190 : vector<16xi32> to vector<16xf32>
        %parallel_loop3A_192 = arith.addf %parallel_loop3A_166, %parallel_loop3A_191 : vector<16xf32>
        %parallel_loop3A_193 = arith.constant -65536 : i32
        %parallel_loop3A_194 = vector.broadcast %parallel_loop3A_193 : i32 to vector<16xi32>
        %parallel_loop3A_195 = arith.andi %parallel_loop3A_187, %parallel_loop3A_194 : vector<16xi32>
        %parallel_loop3A_196 = vector.bitcast %parallel_loop3A_195 : vector<16xi32> to vector<16xf32>
        %parallel_loop3A_197 = arith.addf %parallel_loop3A_171, %parallel_loop3A_196 : vector<16xf32>
        %parallel_loop3A_198 = arith.index_cast %parallel_loop3A_104 : i32 to index
        %parallel_loop3A_199 = arith.constant 48 : index
        %parallel_loop3A_200 = tpu.vector_load %arg13[%parallel_loop3A_198, %parallel_loop3A_199] {strides = array<i32>} : memref<80x64xi32, #tpu.memory_space<vmem>>, vector<16xi32>,
        %parallel_loop3A_201 = arith.index_cast %parallel_loop3A_104 : i32 to index
        %parallel_loop3A_202 = arith.constant 48 : index
        %parallel_loop3A_203 = tpu.vector_load %arg15[%parallel_loop3A_201, %parallel_loop3A_202] {strides = array<i32>} : memref<80x64xi32, #tpu.memory_space<vmem>>, vector<16xi32>,
        %parallel_loop3A_204 = arith.constant 48 : i32
        %parallel_loop3A_205 = vector.broadcast %parallel_loop3A_204 : i32 to vector<16xi32>
        %parallel_loop3A_206 = arith.addi %iota3A, %parallel_loop3A_205 : vector<16xi32>
        %parallel_loop3A_207 = tpu.vector_load_idx %arg17[%parallel_loop3A_115, %parallel_loop3A_206] : memref<200x64xi32, #tpu.memory_space<vmem>>[vector<16xi32>, vector<16xi32>], vector<16xi32>,
        %parallel_loop3A_208 = vector.bitcast %parallel_loop3A_200 : vector<16xi32> to vector<32xbf16>
        %parallel_loop3A_209 = vector.bitcast %parallel_loop3A_203 : vector<16xi32> to vector<32xbf16>
        %parallel_loop3A_210 = vector.bitcast %parallel_loop3A_207 : vector<16xi32> to vector<32xbf16>
        %parallel_loop3A_211 = arith.mulf %parallel_loop3A_208, %parallel_loop3A_209 : vector<32xbf16>
        %parallel_loop3A_212 = arith.mulf %parallel_loop3A_211, %parallel_loop3A_210 : vector<32xbf16>
        %parallel_loop3A_213 = vector.bitcast %parallel_loop3A_212 : vector<32xbf16> to vector<16xi32>
        %parallel_loop3A_214 = arith.constant 16 : i32
        %parallel_loop3A_215 = vector.broadcast %parallel_loop3A_214 : i32 to vector<16xi32>
        %parallel_loop3A_216 = arith.shli %parallel_loop3A_213, %parallel_loop3A_215 : vector<16xi32>
        %parallel_loop3A_217 = vector.bitcast %parallel_loop3A_216 : vector<16xi32> to vector<16xf32>
        %parallel_loop3A_218 = arith.addf %parallel_loop3A_192, %parallel_loop3A_217 : vector<16xf32>
        %parallel_loop3A_219 = arith.constant -65536 : i32
        %parallel_loop3A_220 = vector.broadcast %parallel_loop3A_219 : i32 to vector<16xi32>
        %parallel_loop3A_221 = arith.andi %parallel_loop3A_213, %parallel_loop3A_220 : vector<16xi32>
        %parallel_loop3A_222 = vector.bitcast %parallel_loop3A_221 : vector<16xi32> to vector<16xf32>
        %parallel_loop3A_223 = arith.addf %parallel_loop3A_197, %parallel_loop3A_222 : vector<16xf32>
        %parallel_loop3A_224 = arith.constant 17 : i32
        %parallel_loop3A_225 = vector.broadcast %parallel_loop3A_224 : i32 to vector<16xi32>
        %parallel_loop3A_226 = arith.muli %iota3A, %parallel_loop3A_225 : vector<16xi32>
        %parallel_loop3A_227 = vector.broadcast %parallel_loop3A_103 : i32 to vector<16xi32>
        %parallel_loop3A_228 = arith.addi %parallel_loop3A_226, %parallel_loop3A_227 : vector<16xi32>
        %parallel_loop3A_229 = arith.addf %parallel_loop3A_218, %parallel_loop3A_223 : vector<16xf32>
        tpu.vector_store_idx %arg20[%parallel_loop3A_228], %parallel_loop3A_229 : memref<272xf32, #tpu.memory_space<vmem>>[vector<16xi32>], vector<16xf32>,
      } {sc.loop_unroll_factor = 1 : i64, sc.parallel_access}
      %parallel_loop3A_36 = arith.constant 0 : index
      %parallel_loop3A_37 = tpu.vector_load %arg20[%parallel_loop3A_36] {strides = array<i32>} : memref<272xf32, #tpu.memory_space<vmem>>, vector<16xf32>,
      %parallel_loop3A_38 = arith.constant 17 : index
      %parallel_loop3A_39 = tpu.vector_load %arg20[%parallel_loop3A_38] {strides = array<i32>} : memref<272xf32, #tpu.memory_space<vmem>>, vector<16xf32>,
      %parallel_loop3A_40 = arith.addf %parallel_loop3A_37, %parallel_loop3A_39 : vector<16xf32>
      %parallel_loop3A_41 = arith.constant 34 : index
      %parallel_loop3A_42 = tpu.vector_load %arg20[%parallel_loop3A_41] {strides = array<i32>} : memref<272xf32, #tpu.memory_space<vmem>>, vector<16xf32>,
      %parallel_loop3A_43 = arith.constant 51 : index
      %parallel_loop3A_44 = tpu.vector_load %arg20[%parallel_loop3A_43] {strides = array<i32>} : memref<272xf32, #tpu.memory_space<vmem>>, vector<16xf32>,
      %parallel_loop3A_45 = arith.addf %parallel_loop3A_42, %parallel_loop3A_44 : vector<16xf32>
      %parallel_loop3A_46 = arith.constant 68 : index
      %parallel_loop3A_47 = tpu.vector_load %arg20[%parallel_loop3A_46] {strides = array<i32>} : memref<272xf32, #tpu.memory_space<vmem>>, vector<16xf32>,
      %parallel_loop3A_48 = arith.constant 85 : index
      %parallel_loop3A_49 = tpu.vector_load %arg20[%parallel_loop3A_48] {strides = array<i32>} : memref<272xf32, #tpu.memory_space<vmem>>, vector<16xf32>,
      %parallel_loop3A_50 = arith.addf %parallel_loop3A_47, %parallel_loop3A_49 : vector<16xf32>
      %parallel_loop3A_51 = arith.constant 102 : index
      %parallel_loop3A_52 = tpu.vector_load %arg20[%parallel_loop3A_51] {strides = array<i32>} : memref<272xf32, #tpu.memory_space<vmem>>, vector<16xf32>,
      %parallel_loop3A_53 = arith.constant 119 : index
      %parallel_loop3A_54 = tpu.vector_load %arg20[%parallel_loop3A_53] {strides = array<i32>} : memref<272xf32, #tpu.memory_space<vmem>>, vector<16xf32>,
      %parallel_loop3A_55 = arith.addf %parallel_loop3A_52, %parallel_loop3A_54 : vector<16xf32>
      %parallel_loop3A_56 = arith.constant 136 : index
      %parallel_loop3A_57 = tpu.vector_load %arg20[%parallel_loop3A_56] {strides = array<i32>} : memref<272xf32, #tpu.memory_space<vmem>>, vector<16xf32>,
      %parallel_loop3A_58 = arith.constant 153 : index
      %parallel_loop3A_59 = tpu.vector_load %arg20[%parallel_loop3A_58] {strides = array<i32>} : memref<272xf32, #tpu.memory_space<vmem>>, vector<16xf32>,
      %parallel_loop3A_60 = arith.addf %parallel_loop3A_57, %parallel_loop3A_59 : vector<16xf32>
      %parallel_loop3A_61 = arith.constant 170 : index
      %parallel_loop3A_62 = tpu.vector_load %arg20[%parallel_loop3A_61] {strides = array<i32>} : memref<272xf32, #tpu.memory_space<vmem>>, vector<16xf32>,
      %parallel_loop3A_63 = arith.constant 187 : index
      %parallel_loop3A_64 = tpu.vector_load %arg20[%parallel_loop3A_63] {strides = array<i32>} : memref<272xf32, #tpu.memory_space<vmem>>, vector<16xf32>,
      %parallel_loop3A_65 = arith.addf %parallel_loop3A_62, %parallel_loop3A_64 : vector<16xf32>
      %parallel_loop3A_66 = arith.constant 204 : index
      %parallel_loop3A_67 = tpu.vector_load %arg20[%parallel_loop3A_66] {strides = array<i32>} : memref<272xf32, #tpu.memory_space<vmem>>, vector<16xf32>,
      %parallel_loop3A_68 = arith.constant 221 : index
      %parallel_loop3A_69 = tpu.vector_load %arg20[%parallel_loop3A_68] {strides = array<i32>} : memref<272xf32, #tpu.memory_space<vmem>>, vector<16xf32>,
      %parallel_loop3A_70 = arith.addf %parallel_loop3A_67, %parallel_loop3A_69 : vector<16xf32>
      %parallel_loop3A_71 = arith.constant 238 : index
      %parallel_loop3A_72 = tpu.vector_load %arg20[%parallel_loop3A_71] {strides = array<i32>} : memref<272xf32, #tpu.memory_space<vmem>>, vector<16xf32>,
      %parallel_loop3A_73 = arith.constant 255 : index
      %parallel_loop3A_74 = tpu.vector_load %arg20[%parallel_loop3A_73] {strides = array<i32>} : memref<272xf32, #tpu.memory_space<vmem>>, vector<16xf32>,
      %parallel_loop3A_75 = arith.addf %parallel_loop3A_72, %parallel_loop3A_74 : vector<16xf32>
      %parallel_loop3A_76 = arith.addf %parallel_loop3A_40, %parallel_loop3A_45 : vector<16xf32>
      %parallel_loop3A_77 = arith.addf %parallel_loop3A_50, %parallel_loop3A_55 : vector<16xf32>
      %parallel_loop3A_78 = arith.addf %parallel_loop3A_76, %parallel_loop3A_77 : vector<16xf32>
      %parallel_loop3A_79 = arith.addf %parallel_loop3A_60, %parallel_loop3A_65 : vector<16xf32>
      %parallel_loop3A_80 = arith.addf %parallel_loop3A_70, %parallel_loop3A_75 : vector<16xf32>
      %parallel_loop3A_81 = arith.addf %parallel_loop3A_79, %parallel_loop3A_80 : vector<16xf32>
      %parallel_loop3A_82 = arith.addf %parallel_loop3A_78, %parallel_loop3A_81 : vector<16xf32>
      %parallel_loop3A_83 = arith.constant 0.000000e+00 : f32
      %parallel_loop3A_84 = vector.broadcast %parallel_loop3A_83 : f32 to vector<16xf32>
      %parallel_loop3A_85 = arith.subf %parallel_loop3A_84, %parallel_loop3A_82 : vector<16xf32>
      %parallel_loop3A_86 = math.exp %parallel_loop3A_85 : vector<16xf32>
      %parallel_loop3A_87 = arith.constant 1.000000e+00 : f32
      %parallel_loop3A_88 = vector.broadcast %parallel_loop3A_87 : f32 to vector<16xf32>
      %parallel_loop3A_89 = arith.addf %parallel_loop3A_88, %parallel_loop3A_86 : vector<16xf32>
      %parallel_loop3A_90 = arith.constant 1.000000e+00 : f32
      %parallel_loop3A_91 = vector.broadcast %parallel_loop3A_90 : f32 to vector<16xf32>
      %parallel_loop3A_92 = arith.divf %parallel_loop3A_91, %parallel_loop3A_89 : vector<16xf32>
      %parallel_loop3A_93 = arith.constant 9920 : i32
      %parallel_loop3A_94 = arith.addi %parallel_loop3A_93, %parallel_loop3A_28 : i32
      %parallel_loop3A_95 = arith.index_cast %parallel_loop3A_94 : i32 to index
      %parallel_loop3A_96 = tpu.vector_load %arg18[%parallel_loop3A_95] {strides = array<i32>} : memref<10000xf32, #tpu.memory_space<vmem>>, vector<16xf32>,
      tpu.vector_store %arg18[%parallel_loop3A_95], %parallel_loop3A_92 {strides = array<i32>} : memref<10000xf32, #tpu.memory_space<vmem>>, vector<16xf32>,
      %parallel_loop3A_97 = arith.constant 5.000000e-01 : f32
      %parallel_loop3A_98 = vector.broadcast %parallel_loop3A_97 : f32 to vector<16xf32>
      %parallel_loop3A_99 = arith.cmpf oge, %parallel_loop3A_92, %parallel_loop3A_98 : vector<16xf32>
      %parallel_loop3A_100 = arith.extui %parallel_loop3A_99 : vector<16xi1> to vector<16xi32>
      %parallel_loop3A_101 = arith.index_cast %parallel_loop3A_94 : i32 to index
      %parallel_loop3A_102 = tpu.vector_load %arg19[%parallel_loop3A_101] {strides = array<i32>} : memref<10000xi32, #tpu.memory_space<vmem>>, vector<16xi32>,
      tpu.vector_store %arg19[%parallel_loop3A_101], %parallel_loop3A_100 {strides = array<i32>} : memref<10000xi32, #tpu.memory_space<vmem>>, vector<16xi32>,
    } {sc.loop_unroll_factor = 1 : i64, sc.parallel_access}
    "tpu.region"() ({
      %run_scoped3A = tpu.sem_alloc : memref<!tpu.dma_semaphore, #tpu.memory_space<semaphore_mem>>
      %dma_start3A_26 = arith.constant 0 : i32
      %dma_start3A_27 = tpu.memref_slice %arg8[%add3A, %dma_start3A_26] : memref<32x10000xf32, #tpu.memory_space<hbm>> -> memref<1x10000xf32, #tpu.memory_space<hbm>>
      %dma_start3A_28 = tpu.memref_squeeze %dma_start3A_27 : memref<1x10000xf32, #tpu.memory_space<hbm>> -> memref<10000xf32, #tpu.memory_space<hbm>>
      %dma_start3A_29 = arith.constant 0 : i32
      %dma_start3A_30 = tpu.memref_slice %arg8[%add3A, %dma_start3A_29] : memref<32x10000xf32, #tpu.memory_space<hbm>> -> memref<1x10000xf32, #tpu.memory_space<hbm>>
      %dma_start3A_31 = tpu.memref_squeeze %dma_start3A_30 : memref<1x10000xf32, #tpu.memory_space<hbm>> -> memref<10000xf32, #tpu.memory_space<hbm>>
      tpu.enqueue_dma source(%arg18 : memref<10000xf32, #tpu.memory_space<vmem>>) target(%dma_start3A_31 : memref<10000xf32, #tpu.memory_space<hbm>>) target_semaphore(%run_scoped3A : memref<!tpu.dma_semaphore, #tpu.memory_space<semaphore_mem>>)
      %dma_wait3A_32 = arith.constant 0 : i32
      %dma_wait3A_33 = tpu.memref_slice %arg8[%add3A, %dma_wait3A_32] : memref<32x10000xf32, #tpu.memory_space<hbm>> -> memref<1x10000xf32, #tpu.memory_space<hbm>>
      %dma_wait3A_34 = tpu.memref_squeeze %dma_wait3A_33 : memref<1x10000xf32, #tpu.memory_space<hbm>> -> memref<10000xf32, #tpu.memory_space<hbm>>
      %dma_wait3A_35 = arith.constant 0 : i32
      %dma_wait3A_36 = tpu.memref_slice %arg8[%add3A, %dma_wait3A_35] : memref<32x10000xf32, #tpu.memory_space<hbm>> -> memref<1x10000xf32, #tpu.memory_space<hbm>>
      %dma_wait3A_37 = tpu.memref_squeeze %dma_wait3A_36 : memref<1x10000xf32, #tpu.memory_space<hbm>> -> memref<10000xf32, #tpu.memory_space<hbm>>
      tpu.wait_dma2 semaphore(%run_scoped3A : memref<!tpu.dma_semaphore, #tpu.memory_space<semaphore_mem>>) src(%arg18 : memref<10000xf32, #tpu.memory_space<vmem>>) dst(%dma_wait3A_37 : memref<10000xf32, #tpu.memory_space<hbm>>)
      tpu.yield
    }) : () -> ()
    "tpu.region"() ({
      %run_scoped3A = tpu.sem_alloc : memref<!tpu.dma_semaphore, #tpu.memory_space<semaphore_mem>>
      %dma_start3A_26 = arith.constant 0 : i32
      %dma_start3A_27 = tpu.memref_slice %arg9[%add3A, %dma_start3A_26] : memref<32x10000xi32, #tpu.memory_space<hbm>> -> memref<1x10000xi32, #tpu.memory_space<hbm>>
      %dma_start3A_28 = tpu.memref_squeeze %dma_start3A_27 : memref<1x10000xi32, #tpu.memory_space<hbm>> -> memref<10000xi32, #tpu.memory_space<hbm>>
      %dma_start3A_29 = arith.constant 0 : i32
      %dma_start3A_30 = tpu.memref_slice %arg9[%add3A, %dma_start3A_29] : memref<32x10000xi32, #tpu.memory_space<hbm>> -> memref<1x10000xi32, #tpu.memory_space<hbm>>
      %dma_start3A_31 = tpu.memref_squeeze %dma_start3A_30 : memref<1x10000xi32, #tpu.memory_space<hbm>> -> memref<10000xi32, #tpu.memory_space<hbm>>
      tpu.enqueue_dma source(%arg19 : memref<10000xi32, #tpu.memory_space<vmem>>) target(%dma_start3A_31 : memref<10000xi32, #tpu.memory_space<hbm>>) target_semaphore(%run_scoped3A : memref<!tpu.dma_semaphore, #tpu.memory_space<semaphore_mem>>)
      %dma_wait3A_32 = arith.constant 0 : i32
      %dma_wait3A_33 = tpu.memref_slice %arg9[%add3A, %dma_wait3A_32] : memref<32x10000xi32, #tpu.memory_space<hbm>> -> memref<1x10000xi32, #tpu.memory_space<hbm>>
      %dma_wait3A_34 = tpu.memref_squeeze %dma_wait3A_33 : memref<1x10000xi32, #tpu.memory_space<hbm>> -> memref<10000xi32, #tpu.memory_space<hbm>>
      %dma_wait3A_35 = arith.constant 0 : i32
      %dma_wait3A_36 = tpu.memref_slice %arg9[%add3A, %dma_wait3A_35] : memref<32x10000xi32, #tpu.memory_space<hbm>> -> memref<1x10000xi32, #tpu.memory_space<hbm>>
      %dma_wait3A_37 = tpu.memref_squeeze %dma_wait3A_36 : memref<1x10000xi32, #tpu.memory_space<hbm>> -> memref<10000xi32, #tpu.memory_space<hbm>>
      tpu.wait_dma2 semaphore(%run_scoped3A : memref<!tpu.dma_semaphore, #tpu.memory_space<semaphore_mem>>) src(%arg19 : memref<10000xi32, #tpu.memory_space<vmem>>) dst(%dma_wait3A_37 : memref<10000xi32, #tpu.memory_space<hbm>>)
      tpu.yield
    }) : () -> ()
    return
  }
}

module attributes {stable_mosaic.version = 14 : i64} {
  func.func @_proj_body(%arg0: i32, %arg1: memref<1000x128xf32, #tpu.memory_space<vmem>>, %arg2: memref<128x128xf32, #tpu.memory_space<vmem>>, %arg3: memref<128x128xf32, #tpu.memory_space<vmem>>, %arg4: memref<128x128xf32, #tpu.memory_space<vmem>>, %arg5: memref<1x128xf32, #tpu.memory_space<vmem>>, %arg6: memref<1x128xf32, #tpu.memory_space<vmem>>, %arg7: memref<1x128xf32, #tpu.memory_space<vmem>>, %arg8: memref<200x128xf32, #tpu.memory_space<vmem>>, %arg9: memref<1000x64xi32, #tpu.memory_space<vmem>>, %arg10: memref<1000x64xi32, #tpu.memory_space<vmem>>, %arg11: memref<200x64xi32, #tpu.memory_space<vmem>>) attributes {dimension_semantics = [#tpu.dimension_semantics<arbitrary>], iteration_bounds = array<i64: 10>, scalar_prefetch = 0 : i64, scratch_operands = 0 : i64, tpu.core_type = #tpu.core_type<tc>, window_params = [{transform_indices = @transform_0, window_bounds = array<i64: 1000, 128>}, {pipeline_mode = #tpu.pipeline_mode<synchronous>, transform_indices = @transform_1, window_bounds = array<i64: 128, 128>}, {pipeline_mode = #tpu.pipeline_mode<synchronous>, transform_indices = @transform_2, window_bounds = array<i64: 128, 128>}, {pipeline_mode = #tpu.pipeline_mode<synchronous>, transform_indices = @transform_3, window_bounds = array<i64: 128, 128>}, {pipeline_mode = #tpu.pipeline_mode<synchronous>, transform_indices = @transform_4, window_bounds = array<i64: 1, 128>}, {pipeline_mode = #tpu.pipeline_mode<synchronous>, transform_indices = @transform_5, window_bounds = array<i64: 1, 128>}, {pipeline_mode = #tpu.pipeline_mode<synchronous>, transform_indices = @transform_6, window_bounds = array<i64: 1, 128>}, {pipeline_mode = #tpu.pipeline_mode<synchronous>, transform_indices = @transform_7, window_bounds = array<i64: 200, 128>}, {transform_indices = @transform_8, window_bounds = array<i64: 1000, 64>}, {transform_indices = @transform_9, window_bounds = array<i64: 1000, 64>}, {pipeline_mode = #tpu.pipeline_mode<synchronous>, transform_indices = @transform_10, window_bounds = array<i64: 200, 64>}]} {
    %get3A = arith.constant 0 : index
    %get3A_0 = arith.constant 0 : index
    %get3A_1 = vector.load %arg1[%get3A, %get3A_0] : memref<1000x128xf32, #tpu.memory_space<vmem>>, vector<1000x128xf32>
    %get3A_2 = arith.constant 0 : index
    %get3A_3 = arith.constant 0 : index
    %get3A_4 = vector.load %arg2[%get3A_2, %get3A_3] : memref<128x128xf32, #tpu.memory_space<vmem>>, vector<128x128xf32>
    %dot_general3A = arith.constant dense<0.000000e+00> : vector<1000x128xf32>
    %dot_general3A_5 = tpu.matmul %get3A_1, %get3A_4, %dot_general3A {dimension_numbers = #tpu.dot_dimension_numbers<[1], [0], [0], [1], [0, 0, 1, 1], [], []>, transpose_lhs_hint = false} : vector<1000x128xf32>, vector<128x128xf32>, vector<1000x128xf32> -> vector<1000x128xf32>
    %get3A_6 = arith.constant 0 : index
    %get3A_7 = arith.constant 0 : index
    %get3A_8 = vector.load %arg5[%get3A_6, %get3A_7] : memref<1x128xf32, #tpu.memory_space<vmem>>, vector<1x128xf32>
    %add3A = vector.broadcast %get3A_8 : vector<1x128xf32> to vector<1000x128xf32>
    %add3A_9 = arith.addf %dot_general3A_5, %add3A : vector<1000x128xf32>
    %max3A = arith.constant 0.000000e+00 : f32
    %max3A_10 = vector.broadcast %max3A : f32 to vector<1000x128xf32>
    %max3A_11 = arith.maximumf %add3A_9, %max3A_10 : vector<1000x128xf32>
    %slice3A = vector.extract_strided_slice %max3A_11 {offsets = [0, 0], sizes = [1000, 64], strides = [1, 1]} : vector<1000x128xf32> to vector<1000x64xf32>
    %bitcast_convert_type3A = tpu.bitcast %slice3A : vector<1000x64xf32> -> vector<1000x64xi32>
    %add3A_12 = arith.constant 32767 : i32
    %add3A_13 = vector.broadcast %add3A_12 : i32 to vector<1000x64xi32>
    %add3A_14 = arith.addi %bitcast_convert_type3A, %add3A_13 : vector<1000x64xi32>
    %shift_right_logical3A = arith.constant 16 : i32
    %shift_right_logical3A_15 = vector.broadcast %shift_right_logical3A : i32 to vector<1000x64xi32>
    %shift_right_logical3A_16 = arith.shrui %bitcast_convert_type3A, %shift_right_logical3A_15 : vector<1000x64xi32>
    %and3A = arith.constant 1 : i32
    %and3A_17 = vector.broadcast %and3A : i32 to vector<1000x64xi32>
    %and3A_18 = arith.andi %shift_right_logical3A_16, %and3A_17 : vector<1000x64xi32>
    %add3A_19 = arith.addi %add3A_14, %and3A_18 : vector<1000x64xi32>
    %shift_right_logical3A_20 = arith.constant 16 : i32
    %shift_right_logical3A_21 = vector.broadcast %shift_right_logical3A_20 : i32 to vector<1000x64xi32>
    %shift_right_logical3A_22 = arith.shrui %add3A_19, %shift_right_logical3A_21 : vector<1000x64xi32>
    %slice3A_23 = vector.extract_strided_slice %max3A_11 {offsets = [0, 64], sizes = [1000, 64], strides = [1, 1]} : vector<1000x128xf32> to vector<1000x64xf32>
    %bitcast_convert_type3A_24 = tpu.bitcast %slice3A_23 : vector<1000x64xf32> -> vector<1000x64xi32>
    %add3A_25 = arith.constant 32767 : i32
    %add3A_26 = vector.broadcast %add3A_25 : i32 to vector<1000x64xi32>
    %add3A_27 = arith.addi %bitcast_convert_type3A_24, %add3A_26 : vector<1000x64xi32>
    %shift_right_logical3A_28 = arith.constant 16 : i32
    %shift_right_logical3A_29 = vector.broadcast %shift_right_logical3A_28 : i32 to vector<1000x64xi32>
    %shift_right_logical3A_30 = arith.shrui %bitcast_convert_type3A_24, %shift_right_logical3A_29 : vector<1000x64xi32>
    %and3A_31 = arith.constant 1 : i32
    %and3A_32 = vector.broadcast %and3A_31 : i32 to vector<1000x64xi32>
    %and3A_33 = arith.andi %shift_right_logical3A_30, %and3A_32 : vector<1000x64xi32>
    %add3A_34 = arith.addi %add3A_27, %and3A_33 : vector<1000x64xi32>
    %shift_right_logical3A_35 = arith.constant 16 : i32
    %shift_right_logical3A_36 = vector.broadcast %shift_right_logical3A_35 : i32 to vector<1000x64xi32>
    %shift_right_logical3A_37 = arith.shrui %add3A_34, %shift_right_logical3A_36 : vector<1000x64xi32>
    %shift_left3A = arith.constant 16 : i32
    %shift_left3A_38 = vector.broadcast %shift_left3A : i32 to vector<1000x64xi32>
    %shift_left3A_39 = arith.shli %shift_right_logical3A_37, %shift_left3A_38 : vector<1000x64xi32>
    %or3A = arith.ori %shift_right_logical3A_22, %shift_left3A_39 : vector<1000x64xi32>
    %swap3A = arith.constant 0 : index
    %swap3A_40 = arith.constant 0 : index
    %swap3A_41 = vector.load %arg9[%swap3A, %swap3A_40] : memref<1000x64xi32, #tpu.memory_space<vmem>>, vector<1000x64xi32>
    tpu.vector_store %arg9[%swap3A, %swap3A_40], %or3A {strides = array<i32>} : memref<1000x64xi32, #tpu.memory_space<vmem>>, vector<1000x64xi32>,
    %get3A_42 = arith.constant 0 : index
    %get3A_43 = arith.constant 0 : index
    %get3A_44 = vector.load %arg3[%get3A_42, %get3A_43] : memref<128x128xf32, #tpu.memory_space<vmem>>, vector<128x128xf32>
    %dot_general3A_45 = arith.constant dense<0.000000e+00> : vector<1000x128xf32>
    %dot_general3A_46 = tpu.matmul %get3A_1, %get3A_44, %dot_general3A_45 {dimension_numbers = #tpu.dot_dimension_numbers<[1], [0], [0], [1], [0, 0, 1, 1], [], []>, transpose_lhs_hint = false} : vector<1000x128xf32>, vector<128x128xf32>, vector<1000x128xf32> -> vector<1000x128xf32>
    %get3A_47 = arith.constant 0 : index
    %get3A_48 = arith.constant 0 : index
    %get3A_49 = vector.load %arg6[%get3A_47, %get3A_48] : memref<1x128xf32, #tpu.memory_space<vmem>>, vector<1x128xf32>
    %add3A_50 = vector.broadcast %get3A_49 : vector<1x128xf32> to vector<1000x128xf32>
    %add3A_51 = arith.addf %dot_general3A_46, %add3A_50 : vector<1000x128xf32>
    %max3A_52 = arith.constant 0.000000e+00 : f32
    %max3A_53 = vector.broadcast %max3A_52 : f32 to vector<1000x128xf32>
    %max3A_54 = arith.maximumf %add3A_51, %max3A_53 : vector<1000x128xf32>
    %slice3A_55 = vector.extract_strided_slice %max3A_54 {offsets = [0, 0], sizes = [1000, 64], strides = [1, 1]} : vector<1000x128xf32> to vector<1000x64xf32>
    %bitcast_convert_type3A_56 = tpu.bitcast %slice3A_55 : vector<1000x64xf32> -> vector<1000x64xi32>
    %add3A_57 = arith.constant 32767 : i32
    %add3A_58 = vector.broadcast %add3A_57 : i32 to vector<1000x64xi32>
    %add3A_59 = arith.addi %bitcast_convert_type3A_56, %add3A_58 : vector<1000x64xi32>
    %shift_right_logical3A_60 = arith.constant 16 : i32
    %shift_right_logical3A_61 = vector.broadcast %shift_right_logical3A_60 : i32 to vector<1000x64xi32>
    %shift_right_logical3A_62 = arith.shrui %bitcast_convert_type3A_56, %shift_right_logical3A_61 : vector<1000x64xi32>
    %and3A_63 = arith.constant 1 : i32
    %and3A_64 = vector.broadcast %and3A_63 : i32 to vector<1000x64xi32>
    %and3A_65 = arith.andi %shift_right_logical3A_62, %and3A_64 : vector<1000x64xi32>
    %add3A_66 = arith.addi %add3A_59, %and3A_65 : vector<1000x64xi32>
    %shift_right_logical3A_67 = arith.constant 16 : i32
    %shift_right_logical3A_68 = vector.broadcast %shift_right_logical3A_67 : i32 to vector<1000x64xi32>
    %shift_right_logical3A_69 = arith.shrui %add3A_66, %shift_right_logical3A_68 : vector<1000x64xi32>
    %slice3A_70 = vector.extract_strided_slice %max3A_54 {offsets = [0, 64], sizes = [1000, 64], strides = [1, 1]} : vector<1000x128xf32> to vector<1000x64xf32>
    %bitcast_convert_type3A_71 = tpu.bitcast %slice3A_70 : vector<1000x64xf32> -> vector<1000x64xi32>
    %add3A_72 = arith.constant 32767 : i32
    %add3A_73 = vector.broadcast %add3A_72 : i32 to vector<1000x64xi32>
    %add3A_74 = arith.addi %bitcast_convert_type3A_71, %add3A_73 : vector<1000x64xi32>
    %shift_right_logical3A_75 = arith.constant 16 : i32
    %shift_right_logical3A_76 = vector.broadcast %shift_right_logical3A_75 : i32 to vector<1000x64xi32>
    %shift_right_logical3A_77 = arith.shrui %bitcast_convert_type3A_71, %shift_right_logical3A_76 : vector<1000x64xi32>
    %and3A_78 = arith.constant 1 : i32
    %and3A_79 = vector.broadcast %and3A_78 : i32 to vector<1000x64xi32>
    %and3A_80 = arith.andi %shift_right_logical3A_77, %and3A_79 : vector<1000x64xi32>
    %add3A_81 = arith.addi %add3A_74, %and3A_80 : vector<1000x64xi32>
    %shift_right_logical3A_82 = arith.constant 16 : i32
    %shift_right_logical3A_83 = vector.broadcast %shift_right_logical3A_82 : i32 to vector<1000x64xi32>
    %shift_right_logical3A_84 = arith.shrui %add3A_81, %shift_right_logical3A_83 : vector<1000x64xi32>
    %shift_left3A_85 = arith.constant 16 : i32
    %shift_left3A_86 = vector.broadcast %shift_left3A_85 : i32 to vector<1000x64xi32>
    %shift_left3A_87 = arith.shli %shift_right_logical3A_84, %shift_left3A_86 : vector<1000x64xi32>
    %or3A_88 = arith.ori %shift_right_logical3A_69, %shift_left3A_87 : vector<1000x64xi32>
    %swap3A_89 = arith.constant 0 : index
    %swap3A_90 = arith.constant 0 : index
    %swap3A_91 = vector.load %arg10[%swap3A_89, %swap3A_90] : memref<1000x64xi32, #tpu.memory_space<vmem>>, vector<1000x64xi32>
    tpu.vector_store %arg10[%swap3A_89, %swap3A_90], %or3A_88 {strides = array<i32>} : memref<1000x64xi32, #tpu.memory_space<vmem>>, vector<1000x64xi32>,
    %eq3A = arith.constant 0 : i32
    %eq3A_92 = arith.cmpi eq, %arg0, %eq3A : i32
    %convert_element_type3A = arith.extui %eq3A_92 : i1 to i32
    %cond3A = arith.constant 0 : i32
    %cond3A_93 = arith.cmpi ne, %convert_element_type3A, %cond3A : i32
    scf.if %cond3A_93 {
      %get3A_94 = arith.constant 0 : index
      %get3A_95 = arith.constant 0 : index
      %get3A_96 = vector.load %arg8[%get3A_94, %get3A_95] : memref<200x128xf32, #tpu.memory_space<vmem>>, vector<200x128xf32>
      %get3A_97 = arith.constant 0 : index
      %get3A_98 = arith.constant 0 : index
      %get3A_99 = vector.load %arg4[%get3A_97, %get3A_98] : memref<128x128xf32, #tpu.memory_space<vmem>>, vector<128x128xf32>
      %dot_general3A_100 = arith.constant dense<0.000000e+00> : vector<200x128xf32>
      %dot_general3A_101 = tpu.matmul %get3A_96, %get3A_99, %dot_general3A_100 {dimension_numbers = #tpu.dot_dimension_numbers<[1], [0], [0], [1], [0, 0, 1, 1], [], []>, transpose_lhs_hint = false} : vector<200x128xf32>, vector<128x128xf32>, vector<200x128xf32> -> vector<200x128xf32>
      %get3A_102 = arith.constant 0 : index
      %get3A_103 = arith.constant 0 : index
      %get3A_104 = vector.load %arg7[%get3A_102, %get3A_103] : memref<1x128xf32, #tpu.memory_space<vmem>>, vector<1x128xf32>
      %add3A_105 = vector.broadcast %get3A_104 : vector<1x128xf32> to vector<200x128xf32>
      %add3A_106 = arith.addf %dot_general3A_101, %add3A_105 : vector<200x128xf32>
      %max3A_107 = arith.constant 0.000000e+00 : f32
      %max3A_108 = vector.broadcast %max3A_107 : f32 to vector<200x128xf32>
      %max3A_109 = arith.maximumf %add3A_106, %max3A_108 : vector<200x128xf32>
      %slice3A_110 = vector.extract_strided_slice %max3A_109 {offsets = [0, 0], sizes = [200, 64], strides = [1, 1]} : vector<200x128xf32> to vector<200x64xf32>
      %bitcast_convert_type3A_111 = tpu.bitcast %slice3A_110 : vector<200x64xf32> -> vector<200x64xi32>
      %add3A_112 = arith.constant 32767 : i32
      %add3A_113 = vector.broadcast %add3A_112 : i32 to vector<200x64xi32>
      %add3A_114 = arith.addi %bitcast_convert_type3A_111, %add3A_113 : vector<200x64xi32>
      %shift_right_logical3A_115 = arith.constant 16 : i32
      %shift_right_logical3A_116 = vector.broadcast %shift_right_logical3A_115 : i32 to vector<200x64xi32>
      %shift_right_logical3A_117 = arith.shrui %bitcast_convert_type3A_111, %shift_right_logical3A_116 : vector<200x64xi32>
      %and3A_118 = arith.constant 1 : i32
      %and3A_119 = vector.broadcast %and3A_118 : i32 to vector<200x64xi32>
      %and3A_120 = arith.andi %shift_right_logical3A_117, %and3A_119 : vector<200x64xi32>
      %add3A_121 = arith.addi %add3A_114, %and3A_120 : vector<200x64xi32>
      %shift_right_logical3A_122 = arith.constant 16 : i32
      %shift_right_logical3A_123 = vector.broadcast %shift_right_logical3A_122 : i32 to vector<200x64xi32>
      %shift_right_logical3A_124 = arith.shrui %add3A_121, %shift_right_logical3A_123 : vector<200x64xi32>
      %slice3A_125 = vector.extract_strided_slice %max3A_109 {offsets = [0, 64], sizes = [200, 64], strides = [1, 1]} : vector<200x128xf32> to vector<200x64xf32>
      %bitcast_convert_type3A_126 = tpu.bitcast %slice3A_125 : vector<200x64xf32> -> vector<200x64xi32>
      %add3A_127 = arith.constant 32767 : i32
      %add3A_128 = vector.broadcast %add3A_127 : i32 to vector<200x64xi32>
      %add3A_129 = arith.addi %bitcast_convert_type3A_126, %add3A_128 : vector<200x64xi32>
      %shift_right_logical3A_130 = arith.constant 16 : i32
      %shift_right_logical3A_131 = vector.broadcast %shift_right_logical3A_130 : i32 to vector<200x64xi32>
      %shift_right_logical3A_132 = arith.shrui %bitcast_convert_type3A_126, %shift_right_logical3A_131 : vector<200x64xi32>
      %and3A_133 = arith.constant 1 : i32
      %and3A_134 = vector.broadcast %and3A_133 : i32 to vector<200x64xi32>
      %and3A_135 = arith.andi %shift_right_logical3A_132, %and3A_134 : vector<200x64xi32>
      %add3A_136 = arith.addi %add3A_129, %and3A_135 : vector<200x64xi32>
      %shift_right_logical3A_137 = arith.constant 16 : i32
      %shift_right_logical3A_138 = vector.broadcast %shift_right_logical3A_137 : i32 to vector<200x64xi32>
      %shift_right_logical3A_139 = arith.shrui %add3A_136, %shift_right_logical3A_138 : vector<200x64xi32>
      %shift_left3A_140 = arith.constant 16 : i32
      %shift_left3A_141 = vector.broadcast %shift_left3A_140 : i32 to vector<200x64xi32>
      %shift_left3A_142 = arith.shli %shift_right_logical3A_139, %shift_left3A_141 : vector<200x64xi32>
      %or3A_143 = arith.ori %shift_right_logical3A_124, %shift_left3A_142 : vector<200x64xi32>
      %swap3A_144 = arith.constant 0 : index
      %swap3A_145 = arith.constant 0 : index
      %swap3A_146 = vector.load %arg11[%swap3A_144, %swap3A_145] : memref<200x64xi32, #tpu.memory_space<vmem>>, vector<200x64xi32>
      tpu.vector_store %arg11[%swap3A_144, %swap3A_145], %or3A_143 {strides = array<i32>} : memref<200x64xi32, #tpu.memory_space<vmem>>, vector<200x64xi32>,
    } else {
    }
    return
  }
  func.func @transform_0(%arg0: i32) -> (i32, i32) {
    %c0_i32 = arith.constant 0 : i32
    %c0_i32_0 = arith.constant 0 : i32
    return %arg0, %c0_i32 : i32, i32
  }
  func.func @transform_1(%arg0: i32) -> (i32, i32) {
    %c0_i32 = arith.constant 0 : i32
    %c0_i32_0 = arith.constant 0 : i32
    %c0_i32_1 = arith.constant 0 : i32
    return %c0_i32, %c0_i32_0 : i32, i32
  }
  func.func @transform_2(%arg0: i32) -> (i32, i32) {
    %c0_i32 = arith.constant 0 : i32
    %c0_i32_0 = arith.constant 0 : i32
    %c0_i32_1 = arith.constant 0 : i32
    return %c0_i32, %c0_i32_0 : i32, i32
  }
  func.func @transform_3(%arg0: i32) -> (i32, i32) {
    %c0_i32 = arith.constant 0 : i32
    %c0_i32_0 = arith.constant 0 : i32
    %c0_i32_1 = arith.constant 0 : i32
    return %c0_i32, %c0_i32_0 : i32, i32
  }
  func.func @transform_4(%arg0: i32) -> (i32, i32) {
    %c0_i32 = arith.constant 0 : i32
    %c0_i32_0 = arith.constant 0 : i32
    %c0_i32_1 = arith.constant 0 : i32
    return %c0_i32, %c0_i32_0 : i32, i32
  }
  func.func @transform_5(%arg0: i32) -> (i32, i32) {
    %c0_i32 = arith.constant 0 : i32
    %c0_i32_0 = arith.constant 0 : i32
    %c0_i32_1 = arith.constant 0 : i32
    return %c0_i32, %c0_i32_0 : i32, i32
  }
  func.func @transform_6(%arg0: i32) -> (i32, i32) {
    %c0_i32 = arith.constant 0 : i32
    %c0_i32_0 = arith.constant 0 : i32
    %c0_i32_1 = arith.constant 0 : i32
    return %c0_i32, %c0_i32_0 : i32, i32
  }
  func.func @transform_7(%arg0: i32) -> (i32, i32) {
    %c0_i32 = arith.constant 0 : i32
    %c0_i32_0 = arith.constant 0 : i32
    %c0_i32_1 = arith.constant 0 : i32
    return %c0_i32, %c0_i32_0 : i32, i32
  }
  func.func @transform_8(%arg0: i32) -> (i32, i32) {
    %c0_i32 = arith.constant 0 : i32
    %c0_i32_0 = arith.constant 0 : i32
    return %arg0, %c0_i32 : i32, i32
  }
  func.func @transform_9(%arg0: i32) -> (i32, i32) {
    %c0_i32 = arith.constant 0 : i32
    %c0_i32_0 = arith.constant 0 : i32
    return %arg0, %c0_i32 : i32, i32
  }
  func.func @transform_10(%arg0: i32) -> (i32, i32) {
    %c0_i32 = arith.constant 0 : i32
    %c0_i32_0 = arith.constant 0 : i32
    %c0_i32_1 = arith.constant 0 : i32
    return %c0_i32, %c0_i32_0 : i32, i32
  }
}

</mosaic_0001>

<sc_bundles>
// kernel: kernel.4.cloned.1.call-start
scs
__scs_entry_jumppad:
0x0: {  	(pc) =	sbr.rel $0x88, $3  }
0x1: {  	(tag) =	ssettag $0x0;
	lr =	simm.s32 $0x1  }
0x2: {  	[smem:$0x3F97] =	sst lr;
	_ =	strace $0xD0000000  }
0x3: {  	_ = 	snop  }
0x4: {  	_ = 	snop  }
0x5: {  	_ = 	snop  }
0x6: {  	_ = 	snop  }
0x7: {  	_ = 	snop  }
__scs_overlays_trampoline_lowered:
0x8: {  	[smem:$0x3FA6] =	sst s0  }
0x9: {  	[smem:$0x3FA7] =	sst s1  }
0xa: {  	[smem:$0x3FA8] =	sst s2  }
0xb: {  	[smem:$0x3FA9] =	sst s3  }
0xc: {  	[smem:$0x3FAA] =	sst s4  }
0xd: {  	[smem:$0x3FAB] =	sst s5  }
0xe: {  	[smem:$0x3FAC] =	sst s6  }
0xf: {  	[smem:$0x3FAD] =	sst s7  }
0x10: {  	[smem:$0x3FAE] =	sst s8  }
0x11: {  	[smem:$0x3FAF] =	sst s9;
	s0 =	simm.s32 @!p0 $0x0  }
0x12: {  	s1 =	sld [smem:$0x3F95];
	s0 =	simm.s32 @p0 $0x1  }
0x13: {  	[smem:$0x3FB0] =	sst s0;
	s0 =	simm.s32 @!p1 $0x0  }
0x14: {  	s2 =	sld [smem:$0x3F94];
	s0 =	simm.s32 @p1 $0x1  }
0x15: {  	[smem:$0x3FB1] =	sst s0;
	s0 =	simm.s32 @!p2 $0x0  }
0x16: {  	s3 =	sld [smem:$0x3FDB];
	s0 =	simm.s32 @p2 $0x1  }
0x17: {  	s4 =	simm.s32 $0x1BF5;
	[smem:$0x3FB3] =	sst s0  }
0x18: {  	s0 =	sld [smem:$0x3F96];
	_ =	swait.ge [sflag:s4], $0x0  }
0x19: {  	s7 =	sld [smem:$0x3F97]  }
0x1a: {  	s8 =	sadd.s32 $0xFFFFE003, lr  }
0x1b: {  	s9 =	sadd.s32 $0xFFFFFEF7, lr;
	s5 =	simm.s32 $0xFFFFFFFF;
	p2 =	slt.u32 s8, $0xFFFFF086  }
0x1c: {  	p1 =	slt.u32 s9, $0xF7A;
	s5 =	simm.s32 @!p2 $0x0  }
0x1d: {  	s5 =	simm.s32 @p1 $0x1;
	p0 =	seq.s32 s7, s2  }
0x1e: {  	s7 =	smul.u32 @!p0 $0xF7A, s2;
	p2 =	seq.s32 @!p0 s5, $0x0  }
0x1f: {  	s9 =	smul.u32 $0xF7A, s1;
	s8 =	simm.s32 @!p0 $0x1BF5;
	p2 =	por !p2, p0  }
0x20: {  	[sflag:s8] =	ssyncset.s32 @!p0 $0xFFFFF086;
	s6 =	sadd.s32 @!p0 s3, s7;
	s7 =	simm.s32 @!p0 $0x108  }
0x21: {  	s3 =	sadd.s32 s3, s9;
	s6 =	sadd.s32 @!p0 $0x88, s6;
	s7 =	simm.s32 @p2 $0x1082  }
0x22: {  	[simem:s7], [sflag:s8] =	dma.local @!p0 [hbm:s6], $0xF7A  }
0x23: {  	s9 =	sor.u32 $0xD0000000, s2;
	s6 =	simm.s32 $0x108;
	_ =	swait.ge @!p0 [sflag:s8], $0x0  }
0x24: {  	s3 =	sadd.s32 $0x88, s3;
	s6 =	simm.s32 @!p1 $0x1082;
	[sflag:s4] =	ssyncset.s32 $0xFFFFF086  }
0x25: {  	[simem:s6], [sflag:s4] =	dma.local [hbm:s3], $0xF7A  }
0x26: {  	[smem:$0x3F97] =	sst s1;
	(tag) =	ssettag s2;
	_ =	strace s9  }
0x27: {  	s1 =	sld [smem:$0x3FA7]  }
0x28: {  	s2 =	sld [smem:$0x3FA8]  }
0x29: {  	s4 =	sld [smem:$0x3FAA]  }
0x2a: {  	p0 =	seq.s32 s5, $0x0;
	s5 =	sld [smem:$0x3FAB]  }
0x2b: {  	s6 =	sld [smem:$0x3FAC]  }
0x2c: {  	s7 =	sld [smem:$0x3FAD]  }
0x2d: {  	s3 =	simm.s32 $0x108;
	s8 =	sld [smem:$0x3FAE]  }
0x2e: {  	s3 =	simm.s32 @!p0 $0x1082;
	s9 =	sld [smem:$0x3FAF]  }
0x2f: {  	lr =	sadd.s32 s0, s3;
	s0 =	sld [smem:$0x3FA6]  }
0x30: {  	s3 =	sld [smem:$0x3FA9]  }
0x31: {  	[smem:$0x3FB2] =	sst s10  }
0x32: {  	s10 =	sld [smem:$0x3FB0];
	_ =	sdelay $0x3  }
0x33: {  	p0 =	seq.s32 s10, $0x1;
	s10 =	sld [smem:$0x3FB2];
	_ =	sdelay $0x3  }
0x34: {  	[smem:$0x3FB2] =	sst s10  }
0x35: {  	s10 =	sld [smem:$0x3FB1];
	_ =	sdelay $0x3  }
0x36: {  	p1 =	seq.s32 s10, $0x1;
	s10 =	sld [smem:$0x3FB2];
	_ =	sdelay $0x3  }
0x37: {  	[smem:$0x3FB2] =	sst s10  }
0x38: {  	s10 =	sld [smem:$0x3FB3]  }
0x39: {  	_ = 	snop;
	(pc) =	sbr.ind lr, $3  }
0x3a: {  	_ = 	snop  }
0x3b: {  	_ = 	snop  }
0x3c: {  	p2 =	seq.s32 s10, $0x1;
	s10 =	sld [smem:$0x3FB2]  }
0x3d: {  	_ =	shalt  }
0x3e: {  	_ =	shalt  }
0x3f: {  	_ =	shalt  }
0x40: {  	_ =	shalt  }
0x41: {  	_ =	shalt  }
0x42: {  	_ =	shalt  }
0x43: {  	_ =	shalt  }
0x44: {  	_ =	shalt  }
0x45: {  	_ =	shalt  }
0x46: {  	_ =	shalt  }
0x47: {  	_ =	shalt  }
0x48: {  	_ =	shalt  }
0x49: {  	_ =	shalt  }
0x4a: {  	_ =	shalt  }
0x4b: {  	_ =	shalt  }
0x4c: {  	_ =	shalt  }
0x4d: {  	_ =	shalt  }
0x4e: {  	_ =	shalt  }
0x4f: {  	_ =	shalt  }
0x50: {  	_ =	shalt  }
0x51: {  	_ =	shalt  }
0x52: {  	_ =	shalt  }
0x53: {  	_ =	shalt  }
0x54: {  	_ =	shalt  }
0x55: {  	_ =	shalt  }
0x56: {  	_ =	shalt  }
0x57: {  	_ =	shalt  }
0x58: {  	_ =	shalt  }
0x59: {  	_ =	shalt  }
0x5a: {  	_ =	shalt  }
0x5b: {  	_ =	shalt  }
0x5c: {  	_ =	shalt  }
0x5d: {  	_ =	shalt  }
0x5e: {  	_ =	shalt  }
0x5f: {  	_ =	shalt  }
0x60: {  	_ =	shalt  }
0x61: {  	_ =	shalt  }
0x62: {  	_ =	shalt  }
0x63: {  	_ =	shalt  }
0x64: {  	_ =	shalt  }
0x65: {  	_ =	shalt  }
0x66: {  	_ =	shalt  }
0x67: {  	_ =	shalt  }
0x68: {  	_ =	shalt  }
0x69: {  	_ =	shalt  }
0x6a: {  	_ =	shalt  }
0x6b: {  	_ =	shalt  }
0x6c: {  	_ =	shalt  }
0x6d: {  	_ =	shalt  }
0x6e: {  	_ =	shalt  }
0x6f: {  	_ =	shalt  }
0x70: {  	_ =	shalt  }
0x71: {  	_ =	shalt  }
0x72: {  	_ =	shalt  }
0x73: {  	_ =	shalt  }
0x74: {  	_ =	shalt  }
0x75: {  	_ =	shalt  }
0x76: {  	_ =	shalt  }
0x77: {  	_ =	shalt  }
0x78: {  	_ =	shalt  }
0x79: {  	_ =	shalt  }
0x7a: {  	_ =	shalt  }
0x7b: {  	_ =	shalt  }
0x7c: {  	_ =	shalt  }
0x7d: {  	_ =	shalt  }
0x7e: {  	_ =	shalt  }
0x7f: {  	_ =	shalt  }
0x80: {  	_ =	shalt  }
0x81: {  	_ =	shalt  }
0x82: {  	_ =	shalt  }
0x83: {  	_ =	shalt  }
0x84: {  	_ =	shalt  }
0x85: {  	_ =	shalt  }
0x86: {  	_ =	shalt  }
0x87: {  	_ =	shalt  }
.Lfunc_end0:
.L_simem_size_0:
called_computation_lowered:
.L_overlay_start_0:
0x88: {  	s2 =	sld [smem:$0x3FD9]  }
0x89: {  	s3 =	sld [smem:$0x3FFE];
	_ =	sdelay $0x1  }
0x8a: {  	s1 =	srdreg.scid  }
0x8b: {  	s0 =	sand.u32 $0x1, s1  }
0x8c: {  	s14 =	sshll.u32 s0, $0xA;
	s2 =	sadd.s32 s3, s2  }
0x8d: {  	s2 =	sadd.s32 s2, s14  }
0x8e: {  	[smem:$0x3FBE] =	sst s2  }
0x8f: {  	_ = 	snop  }
0x90: {  	s2 =	sld [smem:$0x3FD0];
	_ =	sdelay $0x2  }
0x91: {  	s4 =	simm.s32 $0xA;
	s5 =	simm.s32 $0x10;
	s15 =	sld [smem:$0x3FC0]  }
0x92: {  	[smem:s5], [sflag:s4] =	dma.local [hbm:s2], $0x1  }
0x93: {  	_ =	swait.eq [sflag:s4], $0x1  }
0x94: {  	[sflag:s4] =	ssyncset.done $0x0  }
0x95: {  	s16 =	sld [smem:$0x10];
	[sflag:s4] =	ssyncadd.s32 $0xFFFFFFFF  }
0x96: {  	s17 =	sld [smem:$0x11];
	(tm) =	ssettm $0x1  }
0x97: {  	s18 =	sld [smem:$0x3FFB];
	_ =	sdelay $0x3  }
0x98: {  	_ =	strace s18  }
0x99: {  	s5 =	sld [smem:$0x3FFC];
	_ =	sdelay $0x3  }
0x9a: {  	_ =	strace s5  }
0x9b: {  	s5 =	sld [smem:$0x3FFD];
	_ =	sdelay $0x3  }
0x9c: {  	_ =	strace s5  }
0x9d: {  	_ =	strace $0x8FFFFFFF  }
0x9e: {  	s19 =	sld [smem:$0x3FDB];
	_ =	sdelay $0x1  }
0x9f: {  	s6 =	simm.s32 $_scs_section_size  }
0xa0: {  	s7 =	simm.s32 $_size__tile_overlayer_lowered;
	s8 =	simm.s32 $_tile_overlayer_lowered  }
0xa1: {  	s22 =	simm.s32 $0x1BFF;
	s21 =	sshll.u32 s8, $0x1;
	s5 =	sadd.s32 s6, s19  }
0xa2: {  	s9 =	simm.s32 $0x0;
	s20 =	sshll.u32 s7, $0x1;
	s7 =	sadd.s32 s21, s5  }
0xa3: {  	[timem:s9], [sflag:s22] =	dma.local [hbm:s7], s20  }
0xa4: {  	_ =	swait.ge [sflag:s22], s20  }
0xa5: {  	s6 =	ssub.s32 $0x0, s20;
	[sflag:s22] =	ssyncset.done $0x0  }
0xa6: {  	[sflag:s22] =	ssyncadd.s32 s6;
	_ =	sdelay $0x1  }
0xa7: {  	s23 =	simm.s32 $0x1B8B  }
0xa8: {  	_ =	swait.ge [sflag:s23], $0x1  }
0xa9: {  	[sflag:s23] =	ssyncset.done $0x0  }
0xaa: {  	s25 =	simm.s32 $0x1B8E;
	s24 =	sld [smem:$0x3FFE];
	[sflag:s23] =	ssyncadd.s32 $0xFFFFFFFF  }
0xab: {  	s26 =	simm.s32 $execute0_lowered;
	[smem:$0x3FD2] =	sst s25  }
0xac: {  	s7 =	sshll.u32 s26, $0x1;
	_ =	strace $0x80000046;
	[dreg:$0x1] =	wrdreg $0xFFFFFFFF  }
0xad: {  	s28 =	simm.s32 $_size_execute0_lowered;
	s5 =	sadd.s32 s5, s7;
	[dreg:$0x0] =	wrdreg $0x0  }
0xae: {  	s7 =	sshll.u32 s28, $0x1;
	[dreg:$0x2] =	wrdreg s5  }
0xaf: {  	[dreg:$0x3] =	wrdreg s7  }
0xb0: {  	[dreg:$0x4] =	wrdreg $0xC0  }
0xb1: {  	_ =	task [dreg:s9], $0x5FFFF  }
0xb2: {  	[dreg:$0x1] =	wrdreg $0xFFFFFFFF  }
0xb3: {  	[dreg:$0x0] =	wrdreg $0x60  }
0xb4: {  	[dreg:$0x2] =	wrdreg s24  }
0xb5: {  	[dreg:$0x3] =	wrdreg s15  }
0xb6: {  	[dreg:$0x4] =	wrdreg s16  }
0xb7: {  	[dreg:$0x5] =	wrdreg s17  }
0xb8: {  	[dreg:$0x6] =	wrdreg $0x9  }
0xb9: {  	_ =	task.clear_ibuf [dreg:s9], $0x7FFFF;
	_ =	strace $0x90000046  }
0xba: {  	s29 =	simm.s32 $0x9;
	_ =	strace $0x80000048  }
0xbb: {  	_ =	swait.ge [sflag:s29], $0x1  }
0xbc: {  	[sflag:s29] =	ssyncadd.s32 $0xFFFFFFFF  }
0xbd: {  	_ =	strace $0x90000048  }
0xbe: {  	_ =	sfence  }
0xbf: {  	s30 =	sld [smem:$0x0];
	_ =	sdelay $0x2  }
0xc0: {  	s31 =	sshll.u32 s1, $0xD;
	s1 =	sshrl.u32 s1, $0x2  }
0xc1: {  	s3 =	sand.u32 $0x4000, s31;
	s1 =	sadd.s32 s1, s30  }
0xc2: {  	s0 =	sor.u32 s3, s0;
	s1 =	sshll.u32 s1, $0x11  }
0xc3: {  	s0 =	sor.u32 s1, s0  }
0xc4: {  	s0 =	sadd.s32 $0x8F2B, s0  }
0xc5: {  	[sflag:s0] =	ssyncadd.remote.s32 $0x1  }
0xc6: {  	_ =	sfence.sel $0xFFFF  }
0xc7: {  	[dreg:$0x0] =	wrdreg $0xFFFFFFFF;
	(pc) =	sbr.abs _section_cstart, $3  }
0xc8: {  	[dreg:$0x1] =	wrdreg $0xFFFFFFFF  }
0xc9: {  	_ =	task.clear_ibuf [dreg:s9], $0x2FFFF;
	_ =	strace $0x9FFFFFFF  }
0xca: {  	(tm) =	ssettm $0x7FFFFFFF  }
0xcb: {  	_ =	shalt  }
tec
execute0_lowered:
.L_overlay_start_1:
0x0: {  	(tag) =	ssettag $0x1  }
0x1: {  	s0 =	rddreg [dreg:$0x0]  }
0x2: {  	s1 =	rddreg [dreg:$0x1]  }
0x3: {  	s5 =	rddreg [dreg:$0x2]  }
0x4: {  	s6 =	rddreg [dreg:$0x3];
	s3 =	srdreg.scid  }
0x5: {  	s4 =	stileid.u32;
	s2 =	simm.s32 $0x0;
	s12 =	simm.s32 $0xC530  }
0x6: {  	s13 =	simm.s32 $0x5;
	s16 =	simm.s32 $0x50;
	s17 =	simm.s32 $0x7530  }
0x7: {  	s18 =	simm.s32 $0x9D30;
	s19 =	simm.s32 $0x8930;
	s20 =	simm.s32 $0xB130  }
0x8: {  	s21 =	simm.s32 $0x1;
	s22 =	simm.s32 $0x3;
	s23 =	simm.s32 $0x14550  }
0x9: {  	s24 =	simm.s32 $0x2;
	s7 =	sand.u32 $0x1, s3;
	s25 =	sshll.u32 s4, $0x1  }
0xa: {  	s29 =	simm.s32 $0x0;
	[smem:$0x7FF] =	sst s2;
	s3 =	sor.u32 s7, s25  }
0xb: {  	s4 =	sadd.s32 $0xE00, s0;
	s9 =	sadd.s32 $0x28200, s0;
	s8 =	smul.u32 $0x4E2, s3  }
0xc: {  	_ =	strace $0x80000047;
	s7 =	ssub.s32 $0x2, s7;
	[dreg:$0x5] =	wrdreg s9  }
0xd: {  	s25 =	simm.s32 $0x4;
	s3 =	sadd.s32 $0x14800, s0;
	s30 =	sadd.s32 s1, s8  }
0xe: {  	s0 =	sadd.s32 s8, s0;
	s31 =	sadd.s32 s5, s8;
	[dreg:$0x8] =	wrdreg s30  }
0xf: {  	v0 =	vlaneseq.u32;
	s26 =	sshrl.u32 s7, $0x1;
	s28 =	sadd.s32 $0x32800, s0;
	[dreg:$0x9] =	wrdreg s31  }
0x10: {  	v5 =	vimm.s32 $0x0;
	v1 =	vor.u32 $0x10, v0;
	s7 =	ssub.s32 s7, s26;
	s0 =	sadd.s32 $0x28A00, s0;
	[dreg:$0x6] =	wrdreg s28  }
0x11: {  	v2 =	vor.u32 $0x20, v0;
	v3 =	vor.u32 $0x30, v0;
	v4 =	vmul.u32 $0x11, v0;
	s10 =	sadd.s32 s6, s8;
	s11 =	smax.u32 s7, $0x1;
	[dreg:$0x7] =	wrdreg s0  }
.LBB2_1:
0x12: {  	s0 =	rddreg [dreg:$0x5]  }
0x13: {  	[tilespmem:s12], [sflag:$0x5] =	stream.linear.gather [hbm4b:s0+s2], $0x3200, $0x38;
	[tilespmem:$0x14660] =	vst v63  }
0x14: {  	_ =	swait.ge [sflag:s13], $0x3200  }
0x15: {  	[sflag:s13] =	ssyncset.done $0x0  }
0x16: {  	s26 =	rddreg [dreg:$0x6];
	[sflag:s13] =	ssyncadd.s32 $0xFFFFCE00  }
0x17: {  	[tilespmem:s2], [sflag:$0x5] =	stream.linear.gather [hbm4b:s26+s2], $0x2710, $0x38;
	[tilespmem:$0x14660] =	vst v63  }
0x18: {  	_ =	swait.ge [sflag:s13], $0x2710  }
0x19: {  	[sflag:s13] =	ssyncset.done $0x0  }
0x1a: {  	s1 =	simm.s32 $0x2710;
	s28 =	rddreg [dreg:$0x7];
	[sflag:s13] =	ssyncadd.s32 $0xFFFFD8F0  }
0x1b: {  	[tilespmem:s1], [sflag:$0x5] =	stream.linear.gather [hbm4b:s28+s2], $0x2710, $0x38;
	[tilespmem:$0x14660] =	vst v63  }
0x1c: {  	_ =	swait.ge [sflag:s13], $0x2710  }
0x1d: {  	[sflag:s13] =	ssyncset.done $0x0  }
0x1e: {  	s5 =	simm.s32 $0x4E20;
	s31 =	rddreg [dreg:$0x8];
	[sflag:s13] =	ssyncadd.s32 $0xFFFFD8F0  }
0x1f: {  	[tilespmem:s5], [sflag:$0x5] =	stream.linear.gather [hbm4b:s31+s2], $0x2710, $0x38;
	[tilespmem:$0x14660] =	vst v63  }
0x20: {  	_ =	swait.ge [sflag:s13], $0x2710  }
0x21: {  	[sflag:s13] =	ssyncset.done $0x0  }
0x22: {  	[sflag:s13] =	ssyncadd.s32 $0xFFFFD8F0  }
0x23: {  	[tilespmem:s17], [sflag:$0x1] =	stream.indirect.gather [hbm4b:s3+s16], $0x40, s2, s16, $0xb8;
	[tilespmem:$0x14660] =	vst v63  }
0x24: {  	s30 =	simm.s32 $0x0  }
0x25: {  	[tilespmem:s18], [sflag:$0x3] =	stream.indirect.gather [hbm4b:s4+s16], $0x40, s1, s16, $0xb8;
	[tilespmem:$0x14660] =	vst v63  }
.LBB2_2:
0x26: {  	s0 =	smul.u32 $0xA0, s30;
	_ =	sdelay $0x1  }
0x27: {  	s31 =	sadd.s32 $0x50, s0  }
0x28: {  	[tilespmem:s19], [sflag:$0x2] =	stream.indirect.gather [hbm4b:s3+s16], $0x40, s31, s16, $0xb8;
	[tilespmem:$0x14660] =	vst v63  }
0x29: {  	s1 =	sadd.s32 $0x2760, s0  }
0x2a: {  	[tilespmem:s20], [sflag:$0x4] =	stream.indirect.gather [hbm4b:s4+s16], $0x40, s1, s16, $0xb8;
	[tilespmem:$0x14660] =	vst v63  }
0x2b: {  	_ =	swait.ge [sflag:s21], $0x1400  }
0x2c: {  	[sflag:s21] =	ssyncset.done $0x0  }
0x2d: {  	[sflag:s21] =	ssyncadd.s32 $0xFFFFEC00  }
0x2e: {  	_ =	swait.ge [sflag:s22], $0x1400  }
0x2f: {  	s15 =	simm.s32 $0x7550;
	s26 =	simm.s32 $0x9D50;
	[sflag:s22] =	ssyncset.done $0x0  }
0x30: {  	s28 =	simm.s32 $0x0;
	v6 =	vmov s0;
	s1 =	simm.s32 $0x0;
	[sflag:s22] =	ssyncadd.s32 $0xFFFFEC00  }
.LBB2_3:
0x31: {  	_ =	sdelay $0x2  }
0x32: {  	s9 =	sshll.u32 s28, $0x4  }
0x33: {  	v8 =	vld.idx.msk [tilespmem:v6+s9+$0x4E20 ss:$0x1], $0xffff;
	_ =	sdelay $0x3  }
0x34: {  	v7 =	vmov s1  }
0x35: {  	v13 =	vld [tilespmem:s15+$0x10];
	v7 =	vperm.xlane v8, v7  }
0x36: {  	v11 =	vld [tilespmem:s15+$0x0]  }
0x37: {  	v12 =	vld [tilespmem:s26+$0x0];
	v7 =	vshll.u32 v7, $0x6  }
0x38: {  	v14 =	vld [tilespmem:s15+$0xFFFFFFF0];
	v9 =	vor.u32 v0, v7  }
0x39: {  	v15 =	vld [tilespmem:s15+$0xFFFFFFE0]  }
0x3a: {  	v21 =	vld [tilespmem:s26+$0x10];
	v10 =	vor.u32 v1, v7  }
0x3b: {  	v16 =	vld [tilespmem:s26+$0xFFFFFFE0]  }
0x3c: {  	v19 =	vld [tilespmem:s26+$0xFFFFFFF0];
	v17 =	vor.u32 v2, v7  }
0x3d: {  	v18 =	vld.idx.msk [tilespmem:v9+s12+$0x0], $0xffff  }
0x3e: {  	s5 =	simm.s32 $0x1;
	v7 =	vor.u32 v3, v7  }
0x3f: {  	s8 =	sadd.s32 $0x40, s15;
	v21 =	vmul.bf16 v21, v13;
	v9 =	vmov s5;
	v20 =	vld.idx.msk [tilespmem:v10+s12+$0x0], $0xffff  }
0x40: {  	v13 =	vld [tilespmem:s8+$0xFFFFFFE0];
	v10 =	vmul.bf16 v16, v15;
	v9 =	vperm.xlane v8, v9  }
0x41: {  	s7 =	sadd.s32 $0x40, s26;
	v14 =	vmul.bf16 v19, v14;
	v15 =	vld.idx.msk [tilespmem:v17+s12+$0x0], $0xffff  }
0x42: {  	v17 =	vmul.bf16 v12, v11;
	v11 =	vld [tilespmem:s7+$0x0];
	v22 =	vshll.u32 v9, $0x6;
	v16 =	vmul.bf16 v18, v10  }
0x43: {  	v23 =	vor.u32 v1, v22;
	v24 =	vor.u32 v0, v22;
	v18 =	vld.idx.msk [tilespmem:v7+s12+$0x0], $0xffff  }
0x44: {  	v12 =	vld [tilespmem:s8+$0xFFFFFFF0];
	v14 =	vmul.bf16 v20, v14;
	v19 =	vshll.u32 v16, $0x10;
	v16 =	vand.u32 $0xFFFF0000, v16  }
0x45: {  	v9 =	vld [tilespmem:s8+$0x10];
	v7 =	vadd.s32 s1, v4;
	v20 =	vadd.f32 $0.0e+00, v19;
	v16 =	vadd.f32 $0.0e+00, v16  }
0x46: {  	v10 =	vld [tilespmem:s8+$0x0];
	v15 =	vmul.bf16 v15, v17;
	v25 =	vshll.u32 v14, $0x10;
	v14 =	vand.u32 $0xFFFF0000, v14  }
0x47: {  	v17 =	vld [tilespmem:s7+$0xFFFFFFE0];
	v19 =	vor.u32 v2, v22;
	v25 =	vadd.f32 v25, v20;
	v14 =	vadd.f32 v14, v16  }
0x48: {  	v61 =	vshll.u32 v15, $0x10;
	v15 =	vand.u32 $0xFFFF0000, v15;
	v16 =	vld.idx.msk [tilespmem:v24+s12+$0x0], $0xffff;
	v21 =	vmul.bf16 v18, v21  }
0x49: {  	s6 =	simm.s32 $0x2;
	v18 =	vld [tilespmem:s7+$0xFFFFFFF0];
	v20 =	vor.u32 v3, v22;
	v22 =	vadd.f32 v61, v25;
	v62 =	vadd.f32 v15, v14  }
0x4a: {  	v15 =	vmov s6;
	v14 =	vld.idx.msk [tilespmem:v23+s12+$0x0], $0xffff;
	v63 =	vshll.u32 v21, $0x10;
	v26 =	vand.u32 $0xFFFF0000, v21  }
0x4b: {  	s14 =	sadd.s32 s0, s9;
	s9 =	simm.s32 $0x3;
	v23 =	vperm.xlane v8, v15;
	v15 =	vld [tilespmem:s7+$0x10];
	v21 =	vadd.f32 v63, v22;
	v22 =	vadd.f32 v26, v62  }
.LBB2_4:
0x4c: {  	p0 =	sne.s32 s9, $0xF;
	v13 =	vmul.bf16 v17, v13;
	v17 =	vld.idx.msk [tilespmem:v19+s12+$0x0], $0xffff;
	s8 =	sadd.s32 $0x40, s8  }
0x4d: {  	v23 =	vshll.u32 v23, $0x6;
	v19 =	vld [tilespmem:s8+$0x10];
	v21 =	vadd.f32 v22, v21  }
0x4e: {  	v22 =	vor.u32 v1, v23;
	v13 =	vmul.bf16 v16, v13;
	v12 =	vmul.bf16 v18, v12;
	v18 =	vld.idx.msk [tilespmem:v20+s12+$0x0], $0xffff  }
0x4f: {  	s7 =	sadd.s32 $0x40, s7;
	v16 =	vor.u32 v0, v23;
	v20 =	vmul.bf16 v11, v10;
	v10 =	vld [tilespmem:s8+$0x0];
	[tilespmem:v7+s23+$0x0] =	vst.idx.msk $0xffff, v21;
	v7 =	vadd.s32 s5, v4;
	s5 =	smov.u32 s6;
	s6 =	smov.u32 s9  }
0x50: {  	v11 =	vld [tilespmem:s7+$0x0];
	v21 =	vshll.u32 v13, $0x10;
	v13 =	vand.u32 $0xFFFF0000, v13;
	v14 =	vmul.bf16 v14, v12  }
0x51: {  	v15 =	vmul.bf16 v15, v9;
	v12 =	vld [tilespmem:s8+$0xFFFFFFF0];
	v21 =	vadd.f32 $0.0e+00, v21;
	v24 =	vadd.f32 $0.0e+00, v13  }
0x52: {  	v20 =	vmul.bf16 v17, v20;
	v13 =	vld [tilespmem:s8+$0xFFFFFFE0];
	v25 =	vshll.u32 v14, $0x10;
	v14 =	vand.u32 $0xFFFF0000, v14;
	v9 =	vmovc v19  }
.Ltmp0:
0x53: {  	v19 =	vor.u32 v2, v23;
	v17 =	vld [tilespmem:s7+$0xFFFFFFE0];
	v21 =	vadd.f32 v25, v21;
	v14 =	vadd.f32 v14, v24;
	(pc) =	sbr.rel @p0 .LBB2_4-.Ltmp0, $4  }
0x54: {  	v24 =	vshll.u32 v20, $0x10;
	v25 =	vand.u32 $0xFFFF0000, v20;
	v15 =	vmul.bf16 v18, v15;
	v16 =	vld.idx.msk [tilespmem:v16+s12+$0x0], $0xffff  }
0x55: {  	v20 =	vor.u32 v3, v23;
	v18 =	vld [tilespmem:s7+$0xFFFFFFF0];
	v21 =	vadd.f32 v24, v21;
	v24 =	vadd.f32 v25, v14  }
0x56: {  	v23 =	vmov s9;
	v25 =	vand.u32 $0xFFFF0000, v15;
	v14 =	vld.idx.msk [tilespmem:v22+s12+$0x0], $0xffff;
	v22 =	vshll.u32 v15, $0x10  }
0x57: {  	s9 =	sadd.s32 $0x1, s9;
	v23 =	vperm.xlane v8, v23;
	v15 =	vld [tilespmem:s7+$0x10];
	v21 =	vadd.f32 v22, v21;
	v22 =	vadd.f32 v25, v24  }
0x58: {  	_ =	sdelay $0x3  }
0x59: {  	v8 =	vld.idx.msk [tilespmem:v19+s12+$0x0], $0xffff  }
0x5a: {  	s8 =	sadd.s32 $0x40, s8;
	v56 =	vld.idx.msk [tilespmem:v20+s12+$0x0], $0xffff  }
0x5b: {  	v54 =	vshll.u32 v23, $0x6;
	v55 =	vld [tilespmem:s8+$0x10]  }
0x5c: {  	v13 =	vmul.bf16 v17, v13;
	v24 =	vld [tilespmem:s8+$0x0];
	v57 =	vor.u32 v0, v54  }
0x5d: {  	v58 =	vld [tilespmem:s8+$0xFFFFFFF0]  }
0x5e: {  	s7 =	sadd.s32 $0x40, s7;
	v60 =	vld [tilespmem:s8+$0xFFFFFFE0];
	v13 =	vmul.bf16 v16, v13;
	v59 =	vor.u32 v1, v54;
	v12 =	vmul.bf16 v18, v12  }
0x5f: {  	v10 =	vmul.bf16 v11, v10;
	v21 =	vadd.f32 v22, v21;
	v25 =	vld [tilespmem:s7+$0xFFFFFFE0];
	v62 =	vor.u32 v2, v54  }
0x60: {  	v63 =	vld [tilespmem:s7+$0xFFFFFFF0];
	v61 =	vshll.u32 v13, $0x10;
	v13 =	vand.u32 $0xFFFF0000, v13;
	v12 =	vmul.bf16 v14, v12  }
0x61: {  	v19 =	vor.u32 v3, v54;
	v9 =	vmul.bf16 v15, v9;
	v13 =	vadd.f32 $0.0e+00, v13;
	v20 =	vld.idx.msk [tilespmem:v57+s12+$0x0], $0xffff  }
0x62: {  	v28 =	vld [tilespmem:s7+$0x0];
	v8 =	vmul.bf16 v8, v10;
	v26 =	vshll.u32 v12, $0x10;
	v12 =	vand.u32 $0xFFFF0000, v12  }
0x63: {  	v11 =	vadd.f32 $0.0e+00, v61;
	v9 =	vmul.bf16 v56, v9;
	v12 =	vadd.f32 v12, v13;
	v29 =	vld.idx.msk [tilespmem:v59+s12+$0x0], $0xffff  }
0x64: {  	v31 =	vld [tilespmem:s7+$0x10];
	v18 =	vmul.bf16 v25, v60;
	v30 =	vshll.u32 v8, $0x10;
	v8 =	vand.u32 $0xFFFF0000, v8  }
0x65: {  	v10 =	vmul.bf16 v63, v58;
	v11 =	vadd.f32 v26, v11;
	v14 =	vld.idx.msk [tilespmem:v62+s12+$0x0], $0xffff;
	v8 =	vadd.f32 v8, v12  }
0x66: {  	v32 =	vshll.u32 v9, $0x10;
	v9 =	vand.u32 $0xFFFF0000, v9;
	v33 =	vmul.bf16 v20, v18  }
0x67: {  	v35 =	vmul.bf16 v28, v24;
	v34 =	vld.idx.msk [tilespmem:v19+s12+$0x0], $0xffff;
	v11 =	vadd.f32 v30, v11;
	v8 =	vadd.f32 v9, v8  }
0x68: {  	v10 =	vmul.bf16 v29, v10;
	v36 =	vshll.u32 v33, $0x10;
	v37 =	vand.u32 $0xFFFF0000, v33  }
0x69: {  	v40 =	vmul.bf16 v31, v55;
	v38 =	vadd.f32 $0.0e+00, v36;
	v39 =	vadd.f32 $0.0e+00, v37  }
0x6a: {  	v12 =	vmul.bf16 v14, v35;
	v41 =	vshll.u32 v10, $0x10;
	v10 =	vand.u32 $0xFFFF0000, v10  }
0x6b: {  	v42 =	vadd.s32 s5, v4;
	v13 =	vadd.f32 v41, v38;
	v10 =	vadd.f32 v10, v39  }
0x6c: {  	v9 =	vmul.bf16 v34, v40;
	v14 =	vshll.u32 v12, $0x10;
	v12 =	vand.u32 $0xFFFF0000, v12  }
0x6d: {  	v43 =	vadd.s32 s6, v4;
	v13 =	vadd.f32 v14, v13;
	v10 =	vadd.f32 v12, v10  }
0x6e: {  	v11 =	vadd.f32 v32, v11;
	v44 =	vshll.u32 v9, $0x10;
	v9 =	vand.u32 $0xFFFF0000, v9  }
0x6f: {  	v13 =	vadd.f32 v44, v13;
	v9 =	vadd.f32 v9, v10  }
0x70: {  	v8 =	vadd.f32 v8, v11  }
0x71: {  	[tilespmem:v7+s23+$0x0] =	vst.idx.msk $0xffff, v21;
	v7 =	vadd.f32 v9, v13  }
0x72: {  	[tilespmem:v42+s23+$0x0] =	vst.idx.msk $0xffff, v8  }
0x73: {  	[tilespmem:v43+s23+$0x0] =	vst.idx.msk $0xffff, v7  }
0x74: {  	v7 =	vld [tilespmem:$0x14550]  }
0x75: {  	v8 =	vld [tilespmem:$0x14561]  }
0x76: {  	v45 =	vld [tilespmem:$0x14572]  }
0x77: {  	v46 =	vld [tilespmem:$0x14583]  }
0x78: {  	v47 =	vld [tilespmem:$0x14594]  }
0x79: {  	v12 =	vld [tilespmem:$0x145A5]  }
0x7a: {  	v48 =	vld [tilespmem:$0x145B6]  }
0x7b: {  	v49 =	vld [tilespmem:$0x145C7]  }
0x7c: {  	v15 =	vld [tilespmem:$0x145D8]  }
0x7d: {  	v50 =	vld [tilespmem:$0x145E9]  }
0x7e: {  	v51 =	vld [tilespmem:$0x145FA]  }
0x7f: {  	v52 =	vld [tilespmem:$0x1460B]  }
0x80: {  	v53 =	vld [tilespmem:$0x1461C]  }
0x81: {  	v54 =	vld [tilespmem:$0x1462D]  }
0x82: {  	v21 =	vld [tilespmem:$0x1463E]  }
0x83: {  	v55 =	vld [tilespmem:$0x1464F];
	_ =	sdelay $0x1  }
0x84: {  	v7 =	vadd.f32 v8, v7;
	v8 =	vadd.f32 v46, v45  }
0x85: {  	v56 =	vadd.f32 v12, v47;
	v57 =	vadd.f32 v49, v48  }
0x86: {  	v58 =	vadd.f32 v50, v15;
	v59 =	vadd.f32 v52, v51  }
0x87: {  	v60 =	vadd.f32 v54, v53;
	v61 =	vadd.f32 v55, v21  }
0x88: {  	v7 =	vadd.f32 v8, v7;
	v8 =	vadd.f32 v57, v56  }
0x89: {  	v62 =	vadd.f32 v59, v58;
	v63 =	vadd.f32 v61, v60;
	_ =	sdelay $0x1  }
0x8a: {  	v7 =	vadd.f32 v8, v7;
	v8 =	vadd.f32 v63, v62;
	_ =	sdelay $0x1  }
0x8b: {  	v7 =	vadd.f32 v8, v7;
	_ =	sdelay $0x1  }
0x8c: {  	v7 =	vsub.f32 $0.0e+00, v7;
	_ =	sdelay $0x1  }
0x8d: {  	v7 =	vmul.f32 $1.442695020e+00, v7;
	_ =	sdelay $0x1  }
0x8e: {  	(erf) = vpow2.f32 v7;
	_ =	sdelay $0x8  }
0x8f: {  	v7 =	vpop (erf)  }
0x90: {  	v7 =	vadd.f32 $1.000000000e+00, v7;
	_ =	sdelay $0x1  }
0x91: {  	(erf) = vrcp.f32 v7;
	_ =	sdelay $0x5  }
0x92: {  	s28 =	sadd.s32 $0x1, s28  }
0x93: {  	p0 =	sne.s32 s28, $0x5  }
.Ltmp1:
0x94: {  	_ = 	snop;
	(pc) =	sbr.rel @p0 .LBB2_3-.Ltmp1, $4  }
0x95: {  	v7 =	vpop (erf)  }
0x96: {  	vm0 =	vge.f32 v7, $5.000000000e-01  }
0x97: {  	[tilespmem:s14+$0xF730] =	vst v7;
	v7 =	vsel vm0, $0x1, v5  }
0x98: {  	s15 =	sadd.s32 $0x400, s15;
	s26 =	sadd.s32 $0x400, s26;
	[tilespmem:s14+$0x11E40] =	vst v7  }
0x99: {  	s1 =	sadd.s32 $0xA0, s0  }
0x9a: {  	[tilespmem:s17], [sflag:$0x1] =	stream.indirect.gather [hbm4b:s3+s16], $0x40, s1, s16, $0xb8;
	[tilespmem:$0x14660] =	vst v63  }
0x9b: {  	s28 =	sadd.s32 $0x27B0, s0  }
0x9c: {  	[tilespmem:s18], [sflag:$0x3] =	stream.indirect.gather [hbm4b:s4+s16], $0x40, s28, s16, $0xb8;
	[tilespmem:$0x14660] =	vst v63  }
0x9d: {  	_ =	swait.ge [sflag:s24], $0x1400  }
0x9e: {  	[sflag:s24] =	ssyncset.done $0x0  }
0x9f: {  	[sflag:s24] =	ssyncadd.s32 $0xFFFFEC00  }
0xa0: {  	_ =	swait.ge [sflag:s25], $0x1400  }
0xa1: {  	s0 =	simm.s32 $0x0;
	s15 =	simm.s32 $0xB150;
	[sflag:s25] =	ssyncset.done $0x0  }
0xa2: {  	v6 =	vmov s31;
	s26 =	simm.s32 $0x0;
	s1 =	simm.s32 $0x8950;
	[sflag:s25] =	ssyncadd.s32 $0xFFFFEC00  }
.LBB2_7:
0xa3: {  	_ =	sdelay $0x2  }
0xa4: {  	s9 =	sshll.u32 s26, $0x4  }
0xa5: {  	v8 =	vld.idx.msk [tilespmem:v6+s9+$0x4E20 ss:$0x1], $0xffff;
	_ =	sdelay $0x3  }
0xa6: {  	v7 =	vmov s0  }
0xa7: {  	v13 =	vld [tilespmem:s1+$0x10];
	v7 =	vperm.xlane v8, v7  }
0xa8: {  	v11 =	vld [tilespmem:s1+$0x0]  }
0xa9: {  	v12 =	vld [tilespmem:s15+$0x0];
	v7 =	vshll.u32 v7, $0x6  }
0xaa: {  	v14 =	vld [tilespmem:s1+$0xFFFFFFF0];
	v9 =	vor.u32 v0, v7  }
0xab: {  	v15 =	vld [tilespmem:s1+$0xFFFFFFE0]  }
0xac: {  	v21 =	vld [tilespmem:s15+$0x10];
	v10 =	vor.u32 v1, v7  }
0xad: {  	v16 =	vld [tilespmem:s15+$0xFFFFFFE0]  }
0xae: {  	v19 =	vld [tilespmem:s15+$0xFFFFFFF0];
	v17 =	vor.u32 v2, v7  }
0xaf: {  	v18 =	vld.idx.msk [tilespmem:v9+s12+$0x0], $0xffff  }
0xb0: {  	s5 =	simm.s32 $0x1;
	v7 =	vor.u32 v3, v7  }
0xb1: {  	s8 =	sadd.s32 $0x40, s1;
	v21 =	vmul.bf16 v21, v13;
	v9 =	vmov s5;
	v20 =	vld.idx.msk [tilespmem:v10+s12+$0x0], $0xffff  }
0xb2: {  	v13 =	vld [tilespmem:s8+$0xFFFFFFE0];
	v10 =	vmul.bf16 v16, v15;
	v9 =	vperm.xlane v8, v9  }
0xb3: {  	s7 =	sadd.s32 $0x40, s15;
	v14 =	vmul.bf16 v19, v14;
	v15 =	vld.idx.msk [tilespmem:v17+s12+$0x0], $0xffff  }
0xb4: {  	v17 =	vmul.bf16 v12, v11;
	v11 =	vld [tilespmem:s7+$0x0];
	v22 =	vshll.u32 v9, $0x6;
	v16 =	vmul.bf16 v18, v10  }
0xb5: {  	v23 =	vor.u32 v1, v22;
	v24 =	vor.u32 v0, v22;
	v18 =	vld.idx.msk [tilespmem:v7+s12+$0x0], $0xffff  }
0xb6: {  	v12 =	vld [tilespmem:s8+$0xFFFFFFF0];
	v14 =	vmul.bf16 v20, v14;
	v19 =	vshll.u32 v16, $0x10;
	v16 =	vand.u32 $0xFFFF0000, v16  }
0xb7: {  	v9 =	vld [tilespmem:s8+$0x10];
	v7 =	vadd.s32 s0, v4;
	v20 =	vadd.f32 $0.0e+00, v19;
	v16 =	vadd.f32 $0.0e+00, v16  }
0xb8: {  	v10 =	vld [tilespmem:s8+$0x0];
	v15 =	vmul.bf16 v15, v17;
	v25 =	vshll.u32 v14, $0x10;
	v14 =	vand.u32 $0xFFFF0000, v14  }
0xb9: {  	v17 =	vld [tilespmem:s7+$0xFFFFFFE0];
	v19 =	vor.u32 v2, v22;
	v25 =	vadd.f32 v25, v20;
	v14 =	vadd.f32 v14, v16  }
0xba: {  	v61 =	vshll.u32 v15, $0x10;
	v15 =	vand.u32 $0xFFFF0000, v15;
	v16 =	vld.idx.msk [tilespmem:v24+s12+$0x0], $0xffff;
	v21 =	vmul.bf16 v18, v21  }
0xbb: {  	s6 =	simm.s32 $0x2;
	v18 =	vld [tilespmem:s7+$0xFFFFFFF0];
	v20 =	vor.u32 v3, v22;
	v22 =	vadd.f32 v61, v25;
	v62 =	vadd.f32 v15, v14  }
0xbc: {  	v15 =	vmov s6;
	v14 =	vld.idx.msk [tilespmem:v23+s12+$0x0], $0xffff;
	v63 =	vshll.u32 v21, $0x10;
	v26 =	vand.u32 $0xFFFF0000, v21  }
0xbd: {  	s14 =	sadd.s32 s31, s9;
	s9 =	simm.s32 $0x3;
	v23 =	vperm.xlane v8, v15;
	v15 =	vld [tilespmem:s7+$0x10];
	v21 =	vadd.f32 v63, v22;
	v22 =	vadd.f32 v26, v62  }
.LBB2_8:
0xbe: {  	p0 =	sne.s32 s9, $0xF;
	v13 =	vmul.bf16 v17, v13;
	v17 =	vld.idx.msk [tilespmem:v19+s12+$0x0], $0xffff;
	s8 =	sadd.s32 $0x40, s8  }
0xbf: {  	v23 =	vshll.u32 v23, $0x6;
	v19 =	vld [tilespmem:s8+$0x10];
	v21 =	vadd.f32 v22, v21  }
0xc0: {  	v22 =	vor.u32 v1, v23;
	v13 =	vmul.bf16 v16, v13;
	v12 =	vmul.bf16 v18, v12;
	v18 =	vld.idx.msk [tilespmem:v20+s12+$0x0], $0xffff  }
0xc1: {  	s7 =	sadd.s32 $0x40, s7;
	v16 =	vor.u32 v0, v23;
	v20 =	vmul.bf16 v11, v10;
	v10 =	vld [tilespmem:s8+$0x0];
	[tilespmem:v7+s23+$0x0] =	vst.idx.msk $0xffff, v21;
	v7 =	vadd.s32 s5, v4;
	s5 =	smov.u32 s6;
	s6 =	smov.u32 s9  }
0xc2: {  	v11 =	vld [tilespmem:s7+$0x0];
	v21 =	vshll.u32 v13, $0x10;
	v13 =	vand.u32 $0xFFFF0000, v13;
	v14 =	vmul.bf16 v14, v12  }
0xc3: {  	v15 =	vmul.bf16 v15, v9;
	v12 =	vld [tilespmem:s8+$0xFFFFFFF0];
	v21 =	vadd.f32 $0.0e+00, v21;
	v24 =	vadd.f32 $0.0e+00, v13  }
0xc4: {  	v20 =	vmul.bf16 v17, v20;
	v13 =	vld [tilespmem:s8+$0xFFFFFFE0];
	v25 =	vshll.u32 v14, $0x10;
	v14 =	vand.u32 $0xFFFF0000, v14;
	v9 =	vmovc v19  }
.Ltmp2:
0xc5: {  	v19 =	vor.u32 v2, v23;
	v17 =	vld [tilespmem:s7+$0xFFFFFFE0];
	v21 =	vadd.f32 v25, v21;
	v14 =	vadd.f32 v14, v24;
	(pc) =	sbr.rel @p0 .LBB2_8-.Ltmp2, $4  }
0xc6: {  	v24 =	vshll.u32 v20, $0x10;
	v25 =	vand.u32 $0xFFFF0000, v20;
	v15 =	vmul.bf16 v18, v15;
	v16 =	vld.idx.msk [tilespmem:v16+s12+$0x0], $0xffff  }
0xc7: {  	v20 =	vor.u32 v3, v23;
	v18 =	vld [tilespmem:s7+$0xFFFFFFF0];
	v21 =	vadd.f32 v24, v21;
	v24 =	vadd.f32 v25, v14  }
0xc8: {  	v23 =	vmov s9;
	v25 =	vand.u32 $0xFFFF0000, v15;
	v14 =	vld.idx.msk [tilespmem:v22+s12+$0x0], $0xffff;
	v22 =	vshll.u32 v15, $0x10  }
0xc9: {  	s9 =	sadd.s32 $0x1, s9;
	v23 =	vperm.xlane v8, v23;
	v15 =	vld [tilespmem:s7+$0x10];
	v21 =	vadd.f32 v22, v21;
	v22 =	vadd.f32 v25, v24  }
0xca: {  	_ =	sdelay $0x3  }
0xcb: {  	v8 =	vld.idx.msk [tilespmem:v19+s12+$0x0], $0xffff  }
0xcc: {  	s8 =	sadd.s32 $0x40, s8;
	v56 =	vld.idx.msk [tilespmem:v20+s12+$0x0], $0xffff  }
0xcd: {  	v54 =	vshll.u32 v23, $0x6;
	v55 =	vld [tilespmem:s8+$0x10]  }
0xce: {  	v13 =	vmul.bf16 v17, v13;
	v24 =	vld [tilespmem:s8+$0x0];
	v57 =	vor.u32 v0, v54  }
0xcf: {  	v58 =	vld [tilespmem:s8+$0xFFFFFFF0]  }
0xd0: {  	s7 =	sadd.s32 $0x40, s7;
	v60 =	vld [tilespmem:s8+$0xFFFFFFE0];
	v13 =	vmul.bf16 v16, v13;
	v59 =	vor.u32 v1, v54;
	v12 =	vmul.bf16 v18, v12  }
0xd1: {  	v10 =	vmul.bf16 v11, v10;
	v21 =	vadd.f32 v22, v21;
	v25 =	vld [tilespmem:s7+$0xFFFFFFE0];
	v62 =	vor.u32 v2, v54  }
0xd2: {  	v63 =	vld [tilespmem:s7+$0xFFFFFFF0];
	v61 =	vshll.u32 v13, $0x10;
	v13 =	vand.u32 $0xFFFF0000, v13;
	v12 =	vmul.bf16 v14, v12  }
0xd3: {  	v19 =	vor.u32 v3, v54;
	v9 =	vmul.bf16 v15, v9;
	v13 =	vadd.f32 $0.0e+00, v13;
	v20 =	vld.idx.msk [tilespmem:v57+s12+$0x0], $0xffff  }
0xd4: {  	v28 =	vld [tilespmem:s7+$0x0];
	v8 =	vmul.bf16 v8, v10;
	v26 =	vshll.u32 v12, $0x10;
	v12 =	vand.u32 $0xFFFF0000, v12  }
0xd5: {  	v11 =	vadd.f32 $0.0e+00, v61;
	v9 =	vmul.bf16 v56, v9;
	v12 =	vadd.f32 v12, v13;
	v29 =	vld.idx.msk [tilespmem:v59+s12+$0x0], $0xffff  }
0xd6: {  	v31 =	vld [tilespmem:s7+$0x10];
	v18 =	vmul.bf16 v25, v60;
	v30 =	vshll.u32 v8, $0x10;
	v8 =	vand.u32 $0xFFFF0000, v8  }
0xd7: {  	v10 =	vmul.bf16 v63, v58;
	v11 =	vadd.f32 v26, v11;
	v14 =	vld.idx.msk [tilespmem:v62+s12+$0x0], $0xffff;
	v8 =	vadd.f32 v8, v12  }
0xd8: {  	v32 =	vshll.u32 v9, $0x10;
	v9 =	vand.u32 $0xFFFF0000, v9;
	v33 =	vmul.bf16 v20, v18  }
0xd9: {  	v35 =	vmul.bf16 v28, v24;
	v34 =	vld.idx.msk [tilespmem:v19+s12+$0x0], $0xffff;
	v11 =	vadd.f32 v30, v11;
	v8 =	vadd.f32 v9, v8  }
0xda: {  	v10 =	vmul.bf16 v29, v10;
	v36 =	vshll.u32 v33, $0x10;
	v37 =	vand.u32 $0xFFFF0000, v33  }
0xdb: {  	v40 =	vmul.bf16 v31, v55;
	v38 =	vadd.f32 $0.0e+00, v36;
	v39 =	vadd.f32 $0.0e+00, v37  }
0xdc: {  	v12 =	vmul.bf16 v14, v35;
	v41 =	vshll.u32 v10, $0x10;
	v10 =	vand.u32 $0xFFFF0000, v10  }
0xdd: {  	v42 =	vadd.s32 s5, v4;
	v13 =	vadd.f32 v41, v38;
	v10 =	vadd.f32 v10, v39  }
0xde: {  	v9 =	vmul.bf16 v34, v40;
	v14 =	vshll.u32 v12, $0x10;
	v12 =	vand.u32 $0xFFFF0000, v12  }
0xdf: {  	v43 =	vadd.s32 s6, v4;
	v13 =	vadd.f32 v14, v13;
	v10 =	vadd.f32 v12, v10  }
0xe0: {  	v11 =	vadd.f32 v32, v11;
	v44 =	vshll.u32 v9, $0x10;
	v9 =	vand.u32 $0xFFFF0000, v9  }
0xe1: {  	v13 =	vadd.f32 v44, v13;
	v9 =	vadd.f32 v9, v10  }
0xe2: {  	v8 =	vadd.f32 v8, v11  }
0xe3: {  	[tilespmem:v7+s23+$0x0] =	vst.idx.msk $0xffff, v21;
	v7 =	vadd.f32 v9, v13  }
0xe4: {  	[tilespmem:v42+s23+$0x0] =	vst.idx.msk $0xffff, v8  }
0xe5: {  	[tilespmem:v43+s23+$0x0] =	vst.idx.msk $0xffff, v7  }
0xe6: {  	v7 =	vld [tilespmem:$0x14550]  }
0xe7: {  	v8 =	vld [tilespmem:$0x14561]  }
0xe8: {  	v45 =	vld [tilespmem:$0x14572]  }
0xe9: {  	v46 =	vld [tilespmem:$0x14583]  }
0xea: {  	v47 =	vld [tilespmem:$0x14594]  }
0xeb: {  	v12 =	vld [tilespmem:$0x145A5]  }
0xec: {  	v48 =	vld [tilespmem:$0x145B6]  }
0xed: {  	v49 =	vld [tilespmem:$0x145C7]  }
0xee: {  	v15 =	vld [tilespmem:$0x145D8]  }
0xef: {  	v50 =	vld [tilespmem:$0x145E9]  }
0xf0: {  	v51 =	vld [tilespmem:$0x145FA]  }
0xf1: {  	v52 =	vld [tilespmem:$0x1460B]  }
0xf2: {  	v53 =	vld [tilespmem:$0x1461C]  }
0xf3: {  	v54 =	vld [tilespmem:$0x1462D]  }
0xf4: {  	v21 =	vld [tilespmem:$0x1463E]  }
0xf5: {  	v55 =	vld [tilespmem:$0x1464F];
	_ =	sdelay $0x1  }
0xf6: {  	v7 =	vadd.f32 v8, v7;
	v8 =	vadd.f32 v46, v45  }
0xf7: {  	v56 =	vadd.f32 v12, v47;
	v57 =	vadd.f32 v49, v48  }
0xf8: {  	v58 =	vadd.f32 v50, v15;
	v59 =	vadd.f32 v52, v51  }
0xf9: {  	v60 =	vadd.f32 v54, v53;
	v61 =	vadd.f32 v55, v21  }
0xfa: {  	v7 =	vadd.f32 v8, v7;
	v8 =	vadd.f32 v57, v56  }
0xfb: {  	v62 =	vadd.f32 v59, v58;
	v63 =	vadd.f32 v61, v60;
	_ =	sdelay $0x1  }
0xfc: {  	v7 =	vadd.f32 v8, v7;
	v8 =	vadd.f32 v63, v62;
	_ =	sdelay $0x1  }
0xfd: {  	v7 =	vadd.f32 v8, v7;
	_ =	sdelay $0x1  }
0xfe: {  	v7 =	vsub.f32 $0.0e+00, v7;
	_ =	sdelay $0x1  }
0xff: {  	v7 =	vmul.f32 $1.442695020e+00, v7;
	_ =	sdelay $0x1  }
0x100: {  	(erf) = vpow2.f32 v7;
	_ =	sdelay $0x8  }
0x101: {  	v7 =	vpop (erf)  }
0x102: {  	v7 =	vadd.f32 $1.000000000e+00, v7;
	_ =	sdelay $0x1  }
0x103: {  	(erf) = vrcp.f32 v7;
	_ =	sdelay $0x5  }
0x104: {  	s26 =	sadd.s32 $0x1, s26  }
0x105: {  	p0 =	sne.s32 s26, $0x5  }
.Ltmp3:
0x106: {  	_ = 	snop;
	(pc) =	sbr.rel @p0 .LBB2_7-.Ltmp3, $4  }
0x107: {  	v7 =	vpop (erf)  }
0x108: {  	vm0 =	vge.f32 v7, $5.000000000e-01  }
0x109: {  	[tilespmem:s14+$0xF730] =	vst v7;
	v7 =	vsel vm0, $0x1, v5  }
0x10a: {  	s1 =	sadd.s32 $0x400, s1;
	s15 =	sadd.s32 $0x400, s15;
	[tilespmem:s14+$0x11E40] =	vst v7  }
0x10b: {  	s30 =	sadd.s32 $0x1, s30  }
0x10c: {  	p0 =	sne.s32 s30, $0x3E  }
.Ltmp4:
0x10d: {  	_ = 	snop;
	(pc) =	sbr.rel @p0 .LBB2_2-.Ltmp4, $1  }
0x10e: {  	_ =	sdelay $0x3  }
0x10f: {  	_ =	swait.ge [sflag:s21], $0x1400  }
0x110: {  	[sflag:s21] =	ssyncset.done $0x0  }
0x111: {  	[sflag:s21] =	ssyncadd.s32 $0xFFFFEC00  }
0x112: {  	_ =	swait.ge [sflag:s22], $0x1400  }
0x113: {  	s0 =	simm.s32 $0x0;
	s1 =	simm.s32 $0x7550;
	[sflag:s22] =	ssyncset.done $0x0  }
0x114: {  	s15 =	simm.s32 $0x9D50;
	s26 =	simm.s32 $0x0;
	[sflag:s22] =	ssyncadd.s32 $0xFFFFEC00  }
.LBB2_12:
0x115: {  	s9 =	sshll.u32 s26, $0x4  }
0x116: {  	v7 =	vld [tilespmem:s9+$0x74E0];
	_ =	sdelay $0x3  }
0x117: {  	v6 =	vmov s0  }
0x118: {  	v12 =	vld [tilespmem:s1+$0x10];
	v6 =	vperm.xlane v7, v6  }
0x119: {  	v10 =	vld [tilespmem:s1+$0x0]  }
0x11a: {  	v11 =	vld [tilespmem:s15+$0x0];
	v6 =	vshll.u32 v6, $0x6  }
0x11b: {  	v13 =	vld [tilespmem:s1+$0xFFFFFFF0];
	v8 =	vor.u32 v0, v6  }
0x11c: {  	v14 =	vld [tilespmem:s1+$0xFFFFFFE0]  }
0x11d: {  	v20 =	vld [tilespmem:s15+$0x10];
	v9 =	vor.u32 v1, v6  }
0x11e: {  	v15 =	vld [tilespmem:s15+$0xFFFFFFE0]  }
0x11f: {  	v18 =	vld [tilespmem:s15+$0xFFFFFFF0];
	v16 =	vor.u32 v2, v6  }
0x120: {  	v17 =	vld.idx.msk [tilespmem:v8+s12+$0x0], $0xffff  }
0x121: {  	s5 =	simm.s32 $0x1;
	v6 =	vor.u32 v3, v6  }
0x122: {  	s8 =	sadd.s32 $0x40, s1;
	v20 =	vmul.bf16 v20, v12;
	v8 =	vmov s5;
	v19 =	vld.idx.msk [tilespmem:v9+s12+$0x0], $0xffff  }
0x123: {  	v12 =	vld [tilespmem:s8+$0xFFFFFFE0];
	v9 =	vmul.bf16 v15, v14;
	v8 =	vperm.xlane v7, v8  }
0x124: {  	s7 =	sadd.s32 $0x40, s15;
	v13 =	vmul.bf16 v18, v13;
	v14 =	vld.idx.msk [tilespmem:v16+s12+$0x0], $0xffff  }
0x125: {  	v16 =	vmul.bf16 v11, v10;
	v10 =	vld [tilespmem:s7+$0x0];
	v21 =	vshll.u32 v8, $0x6;
	v15 =	vmul.bf16 v17, v9  }
0x126: {  	v22 =	vor.u32 v1, v21;
	v23 =	vor.u32 v0, v21;
	v17 =	vld.idx.msk [tilespmem:v6+s12+$0x0], $0xffff  }
0x127: {  	v11 =	vld [tilespmem:s8+$0xFFFFFFF0];
	v13 =	vmul.bf16 v19, v13;
	v18 =	vshll.u32 v15, $0x10;
	v15 =	vand.u32 $0xFFFF0000, v15  }
0x128: {  	v8 =	vld [tilespmem:s8+$0x10];
	v6 =	vadd.s32 s0, v4;
	v19 =	vadd.f32 $0.0e+00, v18;
	v15 =	vadd.f32 $0.0e+00, v15  }
0x129: {  	v9 =	vld [tilespmem:s8+$0x0];
	v14 =	vmul.bf16 v14, v16;
	v24 =	vshll.u32 v13, $0x10;
	v13 =	vand.u32 $0xFFFF0000, v13  }
0x12a: {  	v16 =	vld [tilespmem:s7+$0xFFFFFFE0];
	v18 =	vor.u32 v2, v21;
	v24 =	vadd.f32 v24, v19;
	v13 =	vadd.f32 v13, v15  }
0x12b: {  	v15 =	vld.idx.msk [tilespmem:v23+s12+$0x0], $0xffff;
	v23 =	vshll.u32 v14, $0x10;
	v14 =	vand.u32 $0xFFFF0000, v14;
	v20 =	vmul.bf16 v17, v20  }
0x12c: {  	s6 =	simm.s32 $0x2;
	v17 =	vld [tilespmem:s7+$0xFFFFFFF0];
	v19 =	vor.u32 v3, v21;
	v21 =	vadd.f32 v23, v24;
	v23 =	vadd.f32 v14, v13  }
0x12d: {  	v14 =	vmov s6;
	v13 =	vld.idx.msk [tilespmem:v22+s12+$0x0], $0xffff;
	v63 =	vshll.u32 v20, $0x10;
	v25 =	vand.u32 $0xFFFF0000, v20  }
0x12e: {  	s14 =	sadd.s32 $0x26C0, s9;
	s9 =	simm.s32 $0x3;
	v22 =	vperm.xlane v7, v14;
	v14 =	vld [tilespmem:s7+$0x10];
	v20 =	vadd.f32 v63, v21;
	v21 =	vadd.f32 v25, v23  }
.LBB2_13:
0x12f: {  	p0 =	sne.s32 s9, $0xF;
	v12 =	vmul.bf16 v16, v12;
	v16 =	vld.idx.msk [tilespmem:v18+s12+$0x0], $0xffff;
	s8 =	sadd.s32 $0x40, s8  }
0x130: {  	v22 =	vshll.u32 v22, $0x6;
	v18 =	vld [tilespmem:s8+$0x10];
	v20 =	vadd.f32 v21, v20  }
0x131: {  	v21 =	vor.u32 v1, v22;
	v12 =	vmul.bf16 v15, v12;
	v11 =	vmul.bf16 v17, v11;
	v17 =	vld.idx.msk [tilespmem:v19+s12+$0x0], $0xffff  }
0x132: {  	s7 =	sadd.s32 $0x40, s7;
	v15 =	vor.u32 v0, v22;
	v19 =	vmul.bf16 v10, v9;
	v9 =	vld [tilespmem:s8+$0x0];
	[tilespmem:v6+s23+$0x0] =	vst.idx.msk $0xffff, v20;
	v6 =	vadd.s32 s5, v4;
	s5 =	smov.u32 s6;
	s6 =	smov.u32 s9  }
0x133: {  	v10 =	vld [tilespmem:s7+$0x0];
	v20 =	vshll.u32 v12, $0x10;
	v12 =	vand.u32 $0xFFFF0000, v12;
	v13 =	vmul.bf16 v13, v11  }
0x134: {  	v14 =	vmul.bf16 v14, v8;
	v11 =	vld [tilespmem:s8+$0xFFFFFFF0];
	v20 =	vadd.f32 $0.0e+00, v20;
	v23 =	vadd.f32 $0.0e+00, v12  }
0x135: {  	v19 =	vmul.bf16 v16, v19;
	v12 =	vld [tilespmem:s8+$0xFFFFFFE0];
	v24 =	vshll.u32 v13, $0x10;
	v13 =	vand.u32 $0xFFFF0000, v13;
	v8 =	vmovc v18  }
.Ltmp5:
0x136: {  	v18 =	vor.u32 v2, v22;
	v16 =	vld [tilespmem:s7+$0xFFFFFFE0];
	v20 =	vadd.f32 v24, v20;
	v13 =	vadd.f32 v13, v23;
	(pc) =	sbr.rel @p0 .LBB2_13-.Ltmp5, $4  }
0x137: {  	v23 =	vshll.u32 v19, $0x10;
	v24 =	vand.u32 $0xFFFF0000, v19;
	v14 =	vmul.bf16 v17, v14;
	v15 =	vld.idx.msk [tilespmem:v15+s12+$0x0], $0xffff  }
0x138: {  	v19 =	vor.u32 v3, v22;
	v17 =	vld [tilespmem:s7+$0xFFFFFFF0];
	v20 =	vadd.f32 v23, v20;
	v23 =	vadd.f32 v24, v13  }
0x139: {  	v22 =	vmov s9;
	v24 =	vand.u32 $0xFFFF0000, v14;
	v13 =	vld.idx.msk [tilespmem:v21+s12+$0x0], $0xffff;
	v21 =	vshll.u32 v14, $0x10  }
0x13a: {  	s9 =	sadd.s32 $0x1, s9;
	v22 =	vperm.xlane v7, v22;
	v14 =	vld [tilespmem:s7+$0x10];
	v20 =	vadd.f32 v21, v20;
	v21 =	vadd.f32 v24, v23  }
0x13b: {  	_ =	sdelay $0x3  }
0x13c: {  	v7 =	vld.idx.msk [tilespmem:v18+s12+$0x0], $0xffff  }
0x13d: {  	s8 =	sadd.s32 $0x40, s8;
	v56 =	vld.idx.msk [tilespmem:v19+s12+$0x0], $0xffff  }
0x13e: {  	v54 =	vshll.u32 v22, $0x6;
	v55 =	vld [tilespmem:s8+$0x10]  }
0x13f: {  	v12 =	vmul.bf16 v16, v12;
	v23 =	vld [tilespmem:s8+$0x0];
	v57 =	vor.u32 v0, v54  }
0x140: {  	v58 =	vld [tilespmem:s8+$0xFFFFFFF0]  }
0x141: {  	s7 =	sadd.s32 $0x40, s7;
	v60 =	vld [tilespmem:s8+$0xFFFFFFE0];
	v12 =	vmul.bf16 v15, v12;
	v59 =	vor.u32 v1, v54;
	v11 =	vmul.bf16 v17, v11  }
0x142: {  	v9 =	vmul.bf16 v10, v9;
	v20 =	vadd.f32 v21, v20;
	v24 =	vld [tilespmem:s7+$0xFFFFFFE0];
	v62 =	vor.u32 v2, v54  }
0x143: {  	v63 =	vld [tilespmem:s7+$0xFFFFFFF0];
	v61 =	vshll.u32 v12, $0x10;
	v12 =	vand.u32 $0xFFFF0000, v12;
	v11 =	vmul.bf16 v13, v11  }
0x144: {  	v18 =	vor.u32 v3, v54;
	v8 =	vmul.bf16 v14, v8;
	v12 =	vadd.f32 $0.0e+00, v12;
	v19 =	vld.idx.msk [tilespmem:v57+s12+$0x0], $0xffff  }
0x145: {  	v28 =	vld [tilespmem:s7+$0x0];
	v7 =	vmul.bf16 v7, v9;
	v25 =	vshll.u32 v11, $0x10;
	v11 =	vand.u32 $0xFFFF0000, v11  }
0x146: {  	v10 =	vadd.f32 $0.0e+00, v61;
	v8 =	vmul.bf16 v56, v8;
	v11 =	vadd.f32 v11, v12;
	v29 =	vld.idx.msk [tilespmem:v59+s12+$0x0], $0xffff  }
0x147: {  	v31 =	vld [tilespmem:s7+$0x10];
	v17 =	vmul.bf16 v24, v60;
	v30 =	vshll.u32 v7, $0x10;
	v7 =	vand.u32 $0xFFFF0000, v7  }
0x148: {  	v9 =	vmul.bf16 v63, v58;
	v10 =	vadd.f32 v25, v10;
	v13 =	vld.idx.msk [tilespmem:v62+s12+$0x0], $0xffff;
	v7 =	vadd.f32 v7, v11  }
0x149: {  	v32 =	vshll.u32 v8, $0x10;
	v8 =	vand.u32 $0xFFFF0000, v8;
	v33 =	vmul.bf16 v19, v17  }
0x14a: {  	v35 =	vmul.bf16 v28, v23;
	v34 =	vld.idx.msk [tilespmem:v18+s12+$0x0], $0xffff;
	v10 =	vadd.f32 v30, v10;
	v7 =	vadd.f32 v8, v7  }
0x14b: {  	v9 =	vmul.bf16 v29, v9;
	v36 =	vshll.u32 v33, $0x10;
	v37 =	vand.u32 $0xFFFF0000, v33  }
0x14c: {  	v40 =	vmul.bf16 v31, v55;
	v38 =	vadd.f32 $0.0e+00, v36;
	v39 =	vadd.f32 $0.0e+00, v37  }
0x14d: {  	v11 =	vmul.bf16 v13, v35;
	v41 =	vshll.u32 v9, $0x10;
	v9 =	vand.u32 $0xFFFF0000, v9  }
0x14e: {  	v42 =	vadd.s32 s5, v4;
	v12 =	vadd.f32 v41, v38;
	v9 =	vadd.f32 v9, v39  }
0x14f: {  	v8 =	vmul.bf16 v34, v40;
	v13 =	vshll.u32 v11, $0x10;
	v11 =	vand.u32 $0xFFFF0000, v11  }
0x150: {  	v43 =	vadd.s32 s6, v4;
	v12 =	vadd.f32 v13, v12;
	v9 =	vadd.f32 v11, v9  }
0x151: {  	v10 =	vadd.f32 v32, v10;
	v44 =	vshll.u32 v8, $0x10;
	v8 =	vand.u32 $0xFFFF0000, v8  }
0x152: {  	v12 =	vadd.f32 v44, v12;
	v8 =	vadd.f32 v8, v9  }
0x153: {  	v7 =	vadd.f32 v7, v10  }
0x154: {  	[tilespmem:v6+s23+$0x0] =	vst.idx.msk $0xffff, v20;
	v6 =	vadd.f32 v8, v12  }
0x155: {  	[tilespmem:v42+s23+$0x0] =	vst.idx.msk $0xffff, v7  }
0x156: {  	[tilespmem:v43+s23+$0x0] =	vst.idx.msk $0xffff, v6  }
0x157: {  	v6 =	vld [tilespmem:$0x14550]  }
0x158: {  	v7 =	vld [tilespmem:$0x14561]  }
0x159: {  	v45 =	vld [tilespmem:$0x14572]  }
0x15a: {  	v46 =	vld [tilespmem:$0x14583]  }
0x15b: {  	v47 =	vld [tilespmem:$0x14594]  }
0x15c: {  	v11 =	vld [tilespmem:$0x145A5]  }
0x15d: {  	v48 =	vld [tilespmem:$0x145B6]  }
0x15e: {  	v49 =	vld [tilespmem:$0x145C7]  }
0x15f: {  	v14 =	vld [tilespmem:$0x145D8]  }
0x160: {  	v50 =	vld [tilespmem:$0x145E9]  }
0x161: {  	v51 =	vld [tilespmem:$0x145FA]  }
0x162: {  	v52 =	vld [tilespmem:$0x1460B]  }
0x163: {  	v53 =	vld [tilespmem:$0x1461C]  }
0x164: {  	v54 =	vld [tilespmem:$0x1462D]  }
0x165: {  	v20 =	vld [tilespmem:$0x1463E]  }
0x166: {  	v55 =	vld [tilespmem:$0x1464F];
	_ =	sdelay $0x1  }
0x167: {  	v6 =	vadd.f32 v7, v6;
	v7 =	vadd.f32 v46, v45  }
0x168: {  	v56 =	vadd.f32 v11, v47;
	v57 =	vadd.f32 v49, v48  }
0x169: {  	v58 =	vadd.f32 v50, v14;
	v59 =	vadd.f32 v52, v51  }
0x16a: {  	v60 =	vadd.f32 v54, v53;
	v61 =	vadd.f32 v55, v20  }
0x16b: {  	v6 =	vadd.f32 v7, v6;
	v7 =	vadd.f32 v57, v56  }
0x16c: {  	v62 =	vadd.f32 v59, v58;
	v63 =	vadd.f32 v61, v60;
	_ =	sdelay $0x1  }
0x16d: {  	v6 =	vadd.f32 v7, v6;
	v7 =	vadd.f32 v63, v62;
	_ =	sdelay $0x1  }
0x16e: {  	v6 =	vadd.f32 v7, v6;
	_ =	sdelay $0x1  }
0x16f: {  	v6 =	vsub.f32 $0.0e+00, v6;
	_ =	sdelay $0x1  }
0x170: {  	v6 =	vmul.f32 $1.442695020e+00, v6;
	_ =	sdelay $0x1  }
0x171: {  	(erf) = vpow2.f32 v6;
	_ =	sdelay $0x8  }
0x172: {  	v6 =	vpop (erf)  }
0x173: {  	v6 =	vadd.f32 $1.000000000e+00, v6;
	_ =	sdelay $0x1  }
0x174: {  	(erf) = vrcp.f32 v6;
	_ =	sdelay $0x5  }
0x175: {  	s26 =	sadd.s32 $0x1, s26  }
0x176: {  	p0 =	sne.s32 s26, $0x5  }
.Ltmp6:
0x177: {  	_ = 	snop;
	(pc) =	sbr.rel @p0 .LBB2_12-.Ltmp6, $4  }
0x178: {  	v6 =	vpop (erf)  }
0x179: {  	vm0 =	vge.f32 v6, $5.000000000e-01  }
0x17a: {  	[tilespmem:s14+$0xF730] =	vst v6;
	v6 =	vsel vm0, $0x1, v5  }
0x17b: {  	s1 =	sadd.s32 $0x400, s1;
	s15 =	sadd.s32 $0x400, s15;
	[tilespmem:s14+$0x11E40] =	vst v6  }
0x17c: {  	s0 =	rddreg [dreg:$0x9];
	s1 =	simm.s32 $0xF730  }
0x17d: {  	[hbm4b:s0+s2] =	stream.linear.scatter [tilespmem:s1], [sflag:$0x5], $0x2710, $0x38;
	[tilespmem:$0x14660] =	vst v63  }
0x17e: {  	s29 =	sadd.s32 $0x1, s29;
	_ =	swait.ge [sflag:s13], $0x2710  }
0x17f: {  	p0 =	sne.s32 s29, s11;
	[sflag:s13] =	ssyncset.done $0x0  }
.Ltmp7:
0x180: {  	s31 =	simm.s32 $0x11E40;
	[sflag:s13] =	ssyncadd.s32 $0xFFFFD8F0;
	(pc) =	sbr.rel @p0 .LBB2_1-.Ltmp7, $4  }
0x181: {  	[hbm4b:s10+s2] =	stream.linear.scatter [tilespmem:s31], [sflag:$0x5], $0x2710, $0x38;
	[tilespmem:$0x14660] =	vst v63  }
0x182: {  	_ =	swait.ge [sflag:s13], $0x2710  }
0x183: {  	[sflag:s13] =	ssyncset.done $0x0  }
0x184: {  	[sflag:s13] =	ssyncadd.s32 $0xFFFFD8F0  }
0x185: {  	_ =	sfence.sel $0x180000  }
0x186: {  	[bflag:$0x0] =	sbarrier.arrive $0xFFFF  }
0x187: {  	_ =	strace $0x90000047  }
0x188: {  	s0 =	stileid.u32;
	[bflag:$0x2] =	sbarrier.arrive $0xFFFF  }
0x189: {  	p0 =	sne.s32 s0, $0x0;
	s0 =	rddreg [dreg:$0x4]  }
0x18a: {  	s0 =	sadd.s32 @!p0 $0x100000, s0  }
0x18b: {  	[sflag:s0] =	ssyncadd.tile.s32 @!p0 $0x1;
	_ =	shalt  }
.Lfunc_end2:
_tile_overlayer_lowered:
.L_overlay_start_2:
0x18c: {  	(tag) =	ssettag $0x2  }
0x18d: {  	s0 =	rddreg [dreg:$0x0];
	s2 =	stileid.u32  }
0x18e: {  	s1 =	rddreg [dreg:$0x1];
	p0 =	sne.s32 s2, $0x0  }
0x18f: {  	s3 =	rddreg [dreg:$0x2];
	[bflag:$0x3] =	sbarrier.arrive $0xFFFF;
	s2 =	simm.s32 @!p0 $0x1C05  }
0x190: {  	[timem:s3], [sflag:s2] =	dma.local @!p0 [hbm:s0], s1  }
0x191: {  	s0 =	simm.s32 @!p0 $0x5  }
0x192: {  	_ =	swait.ge @!p0 [sflag:s0], s1  }
0x193: {  	s1 =	ssub.s32 @!p0 $0x0, s1;
	[sflag:s0] =	ssyncset.done @!p0 $0x0  }
0x194: {  	[sflag:s0] =	ssyncadd.s32 @!p0 s1  }
0x195: {  	[bflag:$0x3] =	sbarrier.arrive $0xFFFF  }
0x196: {  	_ =	shalt  }

</sc_bundles>
